<compile_context>
chip_gen: v7x
topology: tpu7x:2x2x1
jax: 0.10.2.dev20260603
libtpu: 0.0.44.dev20260713+nightly
codegen_flags: <defaults>
</compile_context>

<pallas_src>
import functools

import jax
import jax.numpy as jnp
from jax import lax
from jax.experimental import pallas as pl
from jax.experimental.pallas import tpu as pltpu
from jax.experimental.pallas import tpu_sc as plsc

NC, NS = 2, 16
NW = NC * NS
CH = 80


def _gather_body(h_hbm, src_hbm, dst_hbm,
                 hs_hbm, hd_hbm,
                 idx_s, idx_d, hs_v, hd_v, sem_s, sem_d, sem_ws, sem_wd,
                 *, epw, nko, nki):
    s = lax.axis_index("s")
    wid = s * NC + lax.axis_index("c")
    base = wid * epw
    @pl.loop(0, nko)
    def _outer(k):
        pltpu.sync_copy(src_hbm.at[wid, k], idx_s)
        pltpu.sync_copy(dst_hbm.at[wid, k], idx_d)

        @pl.loop(0, nki)
        def _chunk(i):
            off = (k * nki + i) * CH
            p = lax.rem(i, 2)

            @pl.when((k > 0) | (i >= 2))
            def _():
                pltpu.make_async_copy(hs_v.at[p], hs_hbm.at[pl.ds(base, CH)], sem_ws).wait()
                pltpu.make_async_copy(hd_v.at[p], hd_hbm.at[pl.ds(base, CH)], sem_wd).wait()

            cs = pltpu.async_copy(h_hbm.at[idx_s.at[i]], hs_v.at[p], sem_s)
            cd = pltpu.async_copy(h_hbm.at[idx_d.at[i]], hd_v.at[p], sem_d)
            cs.wait()
            cd.wait()
            pltpu.async_copy(hs_v.at[p], hs_hbm.at[pl.ds(base + off, CH)], sem_ws)
            pltpu.async_copy(hd_v.at[p], hd_hbm.at[pl.ds(base + off, CH)], sem_wd)

    @pl.loop(0, 2)
    def _drain(p):
        pltpu.make_async_copy(hs_v.at[p], hs_hbm.at[pl.ds(base, CH)], sem_ws).wait()
        pltpu.make_async_copy(hd_v.at[p], hd_hbm.at[pl.ds(base, CH)], sem_wd).wait()


def _sc_gather(h, src3, dst3, N, E, D):
    epw = E // NW
    nchunk = epw // CH
    mesh = plsc.VectorSubcoreMesh(core_axis_name="c", subcore_axis_name="s",
                                  num_cores=NC, num_subcores=NS)
    f32 = jnp.float32
    nko, nki = 5, nchunk // 5
    kern = pl.kernel(
        functools.partial(_gather_body, epw=epw, nko=nko, nki=nki),
        out_type=[
            jax.ShapeDtypeStruct((E, D), f32),
            jax.ShapeDtypeStruct((E, D), f32),
        ],
        mesh=mesh,
        scratch_types=[
            pltpu.VMEM((nki, CH), jnp.int32),
            pltpu.VMEM((nki, CH), jnp.int32),
            pltpu.VMEM((2, CH, D), f32),
            pltpu.VMEM((2, CH, D), f32),
            pltpu.SemaphoreType.DMA,
            pltpu.SemaphoreType.DMA,
            pltpu.SemaphoreType.DMA,
            pltpu.SemaphoreType.DMA,
        ],
    )
    return kern(h, src3.reshape(NW, nko, nki, CH), dst3.reshape(NW, nko, nki, CH))


def _coord_body(x0_hbm, x1_hbm, x2_hbm, src3_hbm, dst3_hbm, dxy_hbm,
                x0v, x1v, x2v, idx_s, idx_d, dxy_v, *, epw, nko, nki, ngrp):
    s = lax.axis_index("s")
    wid = s * NC + lax.axis_index("c")
    pltpu.sync_copy(x0_hbm, x0v)
    pltpu.sync_copy(x1_hbm, x1v)
    pltpu.sync_copy(x2_hbm, x2v)

    zc = jnp.zeros((16,), jnp.int32)
    zv = jnp.zeros((16,), jnp.float32)

    @pl.loop(0, CH)
    def _zero(j):
        dxy_v[j, :] = zv

    @pl.loop(0, nko)
    def _outer(k):
        pltpu.sync_copy(src3_hbm.at[wid, k], idx_s)
        pltpu.sync_copy(dst3_hbm.at[wid, k], idx_d)

        @pl.loop(0, nki)
        def _chunk(i):
            iv = jnp.full((16,), i, jnp.int32)

            @pl.loop(0, ngrp)
            def _grp(g):
                rows = g * 16 + lax.iota(jnp.int32, 16)
                isv = plsc.load_gather(idx_s, [iv, rows])
                idv = plsc.load_gather(idx_d, [iv, rows])
                d0 = plsc.load_gather(x0v, [isv]) - plsc.load_gather(x0v, [idv])
                d1 = plsc.load_gather(x1v, [isv]) - plsc.load_gather(x1v, [idv])
                d2 = plsc.load_gather(x2v, [isv]) - plsc.load_gather(x2v, [idv])
                plsc.store_scatter(dxy_v, [rows, zc], d0)
                plsc.store_scatter(dxy_v, [rows, zc + 1], d1)
                plsc.store_scatter(dxy_v, [rows, zc + 2], d2)

            pltpu.sync_copy(dxy_v, dxy_hbm.at[pl.ds(wid * epw + (k * nki + i) * CH, CH)])


def _sc_coord(x0, x1, x2, src3, dst3, N, E):
    epw = E // NW
    nchunk = epw // CH
    mesh = plsc.VectorSubcoreMesh(core_axis_name="c", subcore_axis_name="s",
                                  num_cores=NC, num_subcores=NS)
    f32 = jnp.float32
    nko, nki = 5, nchunk // 5
    kern = pl.kernel(
        functools.partial(_coord_body, epw=epw, nko=nko, nki=nki, ngrp=CH // 16),
        out_type=[jax.ShapeDtypeStruct((E, 16), f32)],
        mesh=mesh,
        scratch_types=[
            pltpu.VMEM((N,), f32), pltpu.VMEM((N,), f32), pltpu.VMEM((N,), f32),
            pltpu.VMEM((nki, CH), jnp.int32),
            pltpu.VMEM((nki, CH), jnp.int32),
            pltpu.VMEM((CH, 16), f32),
        ],
        compiler_params=pltpu.CompilerParams(needs_layout_passes=False),
    )
    return kern(x0, x1, x2, src3.reshape(NW, nko, nki, CH), dst3.reshape(NW, nko, nki, CH))


def _mlp_body(hs, hd, ed, dxy,
              we1c, be1c, wn1a, wn1b, w2n, bn1, wn2, bn2,
              wc1a, wc1b, w2c, bc1, wc2r,
              m_o, cu_o):
    f32 = jnp.float32
    bf = jnp.bfloat16
    hs_ = hs[...].astype(bf)
    hd_ = hd[...].astype(bf)
    z = we1c[...] * ed[...] + be1c[...]
    tT = z * jax.nn.sigmoid(z)
    dn = (((0,), (0,)), ((), ()))
    pre_n = (jnp.dot(hs_, wn1a[...].astype(bf), preferred_element_type=f32)
             + jnp.dot(hd_, wn1b[...].astype(bf), preferred_element_type=f32)
             + lax.dot_general(tT, w2n[...], dn, preferred_element_type=f32)
             + bn1[...])
    h1 = pre_n * jax.nn.sigmoid(pre_n)
    m_o[...] = jnp.dot(h1.astype(bf), wn2[...].astype(bf),
                       preferred_element_type=f32) + bn2[...]

    pre_c = (jnp.dot(hs_, wc1a[...].astype(bf), preferred_element_type=f32)
             + jnp.dot(hd_, wc1b[...].astype(bf), preferred_element_type=f32)
             + lax.dot_general(tT, w2c[...], dn, preferred_element_type=f32)
             + bc1[...])
    h2 = pre_c * jax.nn.sigmoid(pre_c)
    cw = jnp.sum(h2 * wc2r[...], axis=1, keepdims=True)

    d = dxy[...]
    len2 = jnp.sum(d * d, axis=1, keepdims=True)
    inv = lax.rsqrt(jnp.maximum(len2, 1e-16))
    cu_o[...] = (cw * inv) * d


def _tc_mlp(hs, hd, ed2, dxy, we1c, be1c, wn1a, wn1b, w2n, bn1, wn2, bn2,
            wc1a, wc1b, w2c, bc1, wc2r, E, D, ED):
    BE = 512
    grid = E // BE
    f32 = jnp.float32

    def eb(nc):
        return pl.BlockSpec((BE, nc), lambda i: (i, 0))

    def wb(shape):
        return pl.BlockSpec(shape, lambda i: tuple(0 for _ in shape))

    return pl.pallas_call(
        _mlp_body,
        grid=(grid,),
        in_specs=[
            eb(D), eb(D), pl.BlockSpec((1, BE), lambda i: (0, i)),
            eb(16),
            wb((ED, 1)), wb((ED, 1)),
            wb((D, D)), wb((D, D)), wb((ED, D)), wb((1, D)),
            wb((D, D)), wb((1, D)),
            wb((D, D)), wb((D, D)), wb((ED, D)), wb((1, D)), wb((1, D)),
        ],
        out_specs=[eb(D), eb(16)],
        out_shape=[
            jax.ShapeDtypeStruct((E, D), f32),
            jax.ShapeDtypeStruct((E, 16), f32),
        ],
    )(hs, hd, ed2, dxy, we1c, be1c, wn1a, wn1b, w2n, bn1, wn2, bn2,
      wc1a, wc1b, w2c, bc1, wc2r)


def _scatter_body(m_hbm, cu_hbm, dst2_hbm, h_hbm, xp128_hbm,
                  hp_hbm, xq_hbm,
                  acc, dstbuf, m_v, cu_v, exp_v, sem_a,
                  *, ept, nchunk, n):
    c = lax.axis_index("c")
    s = lax.axis_index("s")
    per = (n // NS) // 8 * 8
    r0 = s * per
    tail0 = per * NS
    ntail = n - tail0

    @pl.when(c == 0)
    def _():
        pltpu.async_copy(h_hbm.at[pl.ds(r0, per)], acc.at[pl.ds(r0, per)], sem_a).wait()

        @pl.when(s == NS - 1)
        def _():
            pltpu.async_copy(h_hbm.at[pl.ds(tail0, ntail)], acc.at[pl.ds(tail0, ntail)], sem_a).wait()

    @pl.when(c != 0)
    def _():
        pltpu.async_copy(xp128_hbm.at[pl.ds(r0, per)], acc.at[pl.ds(r0, per)], sem_a).wait()

        @pl.when(s == NS - 1)
        def _():
            pltpu.async_copy(xp128_hbm.at[pl.ds(tail0, ntail)], acc.at[pl.ds(tail0, ntail)], sem_a).wait()

    plsc.subcore_barrier()

    @pl.when(c == 0)
    def _():
        nh = nchunk // 5

        @pl.loop(0, 5)
        def _half(hh):
            pltpu.async_copy(dst2_hbm.at[s, hh], dstbuf, sem_a).wait()
            base0 = s * ept + hh * nh * CH
            pltpu.async_copy(m_hbm.at[pl.ds(base0, CH)], m_v.at[0], sem_a)

            @pl.loop(0, nh)
            def _chunk(i):
                p = lax.rem(i, 2)
                pltpu.make_async_copy(m_hbm.at[pl.ds(base0, CH)], m_v.at[p], sem_a).wait()

                @pl.when(i + 1 < nh)
                def _():
                    pltpu.async_copy(m_hbm.at[pl.ds(base0 + (i + 1) * CH, CH)],
                                     m_v.at[1 - p], sem_a)

                pltpu.sync_copy(m_v.at[p], acc.at[dstbuf.at[i]], add=True)


    @pl.when(c != 0)
    def _():
        zv = jnp.zeros((16,), jnp.float32)

        @pl.loop(0, CH)
        def _zero(j):
            for k in range(8):
                exp_v[j, pl.ds(16 * k, 16)] = zv

        @pl.loop(0, 5)
        def _half(hh):
            pltpu.async_copy(dst2_hbm.at[s, hh], dstbuf, sem_a).wait()

            @pl.loop(0, nchunk // 5)
            def _chunk(i):
                off = s * ept + (hh * (nchunk // 5) + i) * CH
                pltpu.async_copy(cu_hbm.at[pl.ds(off, CH)], cu_v, sem_a).wait()

                @pl.loop(0, CH)
                def _expand(j):
                    exp_v[j, pl.ds(0, 16)] = cu_v[j, :]

                pltpu.sync_copy(exp_v, acc.at[dstbuf.at[i]], add=True)

    plsc.subcore_barrier()

    @pl.when(c == 0)
    def _():
        pltpu.async_copy(acc.at[pl.ds(r0, per)], hp_hbm.at[pl.ds(r0, per)], sem_a).wait()

        @pl.when(s == NS - 1)
        def _():
            pltpu.async_copy(acc.at[pl.ds(tail0, ntail)], hp_hbm.at[pl.ds(tail0, ntail)], sem_a).wait()

    @pl.when(c != 0)
    def _():
        pltpu.async_copy(acc.at[pl.ds(r0, per)], xq_hbm.at[pl.ds(r0, per)], sem_a).wait()

        @pl.when(s == NS - 1)
        def _():
            pltpu.async_copy(acc.at[pl.ds(tail0, ntail)], xq_hbm.at[pl.ds(tail0, ntail)], sem_a).wait()


def _sc_scatter(m, cu, dst2, h, xp128, N, E, D):
    ept = E // NS
    nchunk = ept // CH
    mesh = plsc.VectorSubcoreMesh(core_axis_name="c", subcore_axis_name="s",
                                  num_cores=NC, num_subcores=NS)
    f32 = jnp.float32
    kern = pl.kernel(
        functools.partial(_scatter_body, ept=ept, nchunk=nchunk, n=N),
        out_type=[
            jax.ShapeDtypeStruct((N, D), f32),
            jax.ShapeDtypeStruct((N, D), f32),
        ],
        mesh=mesh,
        scratch_types=[
            pltpu.VMEM_SHARED((N, D), f32),
            pltpu.VMEM((nchunk // 5, CH), jnp.int32),
            pltpu.VMEM((2, CH, D), f32),
            pltpu.VMEM((CH, 16), f32),
            pltpu.VMEM((CH, D), f32),
            pltpu.SemaphoreType.DMA,
        ],
    )
    return kern(m, cu, dst2, h, xp128)


def kernel(h, x, edge_index, edge_dist, We1, be1, We2, be2,
           Wn1, bn1, Wn2, bn2, Wc1, bc1, Wc2):
    N, D = h.shape
    E = edge_dist.shape[0]
    ED = We2.shape[0]
    f32 = jnp.float32

    src = edge_index[0]
    dst = edge_index[1]
    epw = E // NW
    src3 = src.reshape(NW, epw // CH, CH)
    dst3 = dst.reshape(NW, epw // CH, CH)
    dst2 = dst.reshape(NS, 5, (E // NS) // CH // 5, CH)
    xp128 = jnp.pad(x, ((0, 0), (0, D - x.shape[1])))

    wn1c = Wn1[2 * D:]
    wc1c = Wc1[2 * D:]
    w2n = We2 @ wn1c
    bn1p = (bn1 + be2 @ wn1c).reshape(1, D)
    w2c = We2 @ wc1c
    bc1p = (bc1 + be2 @ wc1c).reshape(1, D)
    wc2r = Wc2.reshape(1, D)

    hs, hd = _sc_gather(h, src3, dst3, N, E, D)
    dxy, = _sc_coord(x[:, 0], x[:, 1], x[:, 2], src3, dst3, N, E)

    m, cu = _tc_mlp(hs, hd, edge_dist.reshape(1, E), dxy,
                    We1.reshape(ED, 1), be1.reshape(ED, 1),
                    Wn1[:D], Wn1[D:2 * D], w2n, bn1p, Wn2, bn2.reshape(1, D),
                    Wc1[:D], Wc1[D:2 * D], w2c, bc1p, wc2r, E, D, ED)

    hp, xq = _sc_scatter(m, cu, dst2, h, xp128, N, E, D)
    return (hp, xq[:, :x.shape[1]])

# --- scband reference (transcript-rebuilt; emitter-appended) ---
"""Pipeline reference for scband-csocssc-v41-11287174054533 (READ-ONLY COPY).

The authoritative reference and input builder live on the scoring server;
editing this copy changes nothing except your own understanding.
"""

import jax, jax.numpy as jnp
import numpy as np


def setup_inputs(seed: int = 0) -> dict:
    key = jax.random.key(seed)
    ks = jax.random.split(key, 16)
    N, E = 10000, 320000
    node_dim, hidden_dim, edge_dim = 128, 128, 16
    h = jax.random.normal(ks[0], (N, node_dim), dtype=jnp.float32)
    x = jax.random.normal(ks[1], (N, 3), dtype=jnp.float32)
    edge_index = jax.random.randint(ks[2], (2, E), 0, N, dtype=jnp.int32)
    edge_dist = jax.random.uniform(ks[3], (E,), dtype=jnp.float32)
    s = 0.05
    # edge_mlp: Linear(1, edge_dim) -> SiLU -> Linear(edge_dim, edge_dim)
    We1 = jax.random.normal(ks[4], (1, edge_dim), dtype=jnp.float32) * s
    be1 = jnp.zeros((edge_dim,), dtype=jnp.float32)
    We2 = jax.random.normal(ks[5], (edge_dim, edge_dim), dtype=jnp.float32) * s
    be2 = jnp.zeros((edge_dim,), dtype=jnp.float32)
    # node_mlp: Linear(2*node_dim+edge_dim, hidden_dim) -> SiLU -> Linear(hidden_dim, node_dim)
    Wn1 = jax.random.normal(ks[6], (2 * node_dim + edge_dim, hidden_dim), dtype=jnp.float32) * s
    bn1 = jnp.zeros((hidden_dim,), dtype=jnp.float32)
    Wn2 = jax.random.normal(ks[7], (hidden_dim, node_dim), dtype=jnp.float32) * s
    bn2 = jnp.zeros((node_dim,), dtype=jnp.float32)
    # coord_mlp: Linear(2*node_dim+edge_dim, hidden_dim) -> SiLU -> Linear(hidden_dim, 1, bias=False)
    Wc1 = jax.random.normal(ks[8], (2 * node_dim + edge_dim, hidden_dim), dtype=jnp.float32) * s
    bc1 = jnp.zeros((hidden_dim,), dtype=jnp.float32)
    Wc2 = jax.random.normal(ks[9], (hidden_dim, 1), dtype=jnp.float32) * s
    return {
        "h": h, "x": x, "edge_index": edge_index, "edge_dist": edge_dist,
        "We1": We1, "be1": be1, "We2": We2, "be2": be2,
        "Wn1": Wn1, "bn1": bn1, "Wn2": Wn2, "bn2": bn2,
        "Wc1": Wc1, "bc1": bc1, "Wc2": Wc2,
    }


def reference(h, x, edge_index, edge_dist, We1, be1, We2, be2, Wn1, bn1, Wn2, bn2, Wc1, bc1, Wc2):
    src = edge_index[0]
    dst = edge_index[1]
    # edge_mlp(edge_dist.unsqueeze(-1))
    e = edge_dist[:, None]
    edge_attr = jax.nn.silu(e @ We1 + be1) @ We2 + be2
    # m_input = cat([h[src], h[dst], edge_attr], dim=-1)
    m_input = jnp.concatenate([jnp.take(h, src, axis=0), jnp.take(h, dst, axis=0), edge_attr], axis=-1)
    # node_mlp
    m = jax.nn.silu(m_input @ Wn1 + bn1) @ Wn2 + bn2
    # h_agg = zeros_like(h).index_add(0, dst, m)
    h_agg = jnp.zeros_like(h).at[dst].add(m)
    # coord_mlp -> scalar weight per edge
    coord_weight = jax.nn.silu(m_input @ Wc1 + bc1) @ Wc2
    dir_vec = jnp.take(x, src, axis=0) - jnp.take(x, dst, axis=0)
    dir_len = jnp.maximum(jnp.linalg.norm(dir_vec, axis=-1, keepdims=True), 1e-08)
    dir_unit = dir_vec / dir_len
    coord_update = coord_weight * dir_unit
    x_agg = jnp.zeros_like(x).at[dst].add(coord_update)
    return (h + h_agg, x + x_agg)

if __name__ == "__main__":
    import jax
    _d = setup_inputs()
    print(jax.jit(kernel)(*tuple(_d.values())))

</pallas_src>

<mosaic_0001>
#map = affine_map<(d0, d1) -> (0)>
#map1 = affine_map<(d0, d1) -> (0, 0, 0, 0)>
#map2 = affine_map<(d0, d1) -> (0, 0)>
module attributes {stable_mosaic.version = 14 : i64} {
  func.func @_coord_body(%arg0: i32, %arg1: i32, %arg2: memref<10000xf32, #tpu.memory_space<hbm>>, %arg3: memref<10000xf32, #tpu.memory_space<hbm>>, %arg4: memref<10000xf32, #tpu.memory_space<hbm>>, %arg5: memref<32x5x25x80xi32, #tpu.memory_space<hbm>>, %arg6: memref<32x5x25x80xi32, #tpu.memory_space<hbm>>, %arg7: memref<320000x16xf32, #tpu.memory_space<hbm>>, %arg8: memref<10000xf32, #tpu.memory_space<vmem>>, %arg9: memref<10000xf32, #tpu.memory_space<vmem>>, %arg10: memref<10000xf32, #tpu.memory_space<vmem>>, %arg11: memref<25x80xi32, #tpu.memory_space<vmem>>, %arg12: memref<25x80xi32, #tpu.memory_space<vmem>>, %arg13: memref<80x16xf32, #tpu.memory_space<vmem>>) attributes {dimension_semantics = [#tpu.dimension_semantics<core_parallel>, #tpu.dimension_semantics<subcore_parallel>], iteration_bounds = array<i64: 2, 16>, scalar_prefetch = 0 : i64, scratch_operands = 6 : i64, tpu.core_type = #tpu.core_type<sc_vector_subcore>, window_params = [{transform_indices = #map}, {transform_indices = #map}, {transform_indices = #map}, {transform_indices = #map1}, {transform_indices = #map1}, {transform_indices = #map2}]} {
    %mul3A = arith.constant 2 : i32
    %mul3A_0 = arith.muli %arg1, %mul3A : i32
    %add3A = arith.addi %mul3A_0, %arg0 : i32
    "tpu.region"() ({
      %run_scoped3A = tpu.sem_alloc : memref<!tpu.dma_semaphore, #tpu.memory_space<semaphore_mem>>
      tpu.enqueue_dma source(%arg2 : memref<10000xf32, #tpu.memory_space<hbm>>) target(%arg8 : memref<10000xf32, #tpu.memory_space<vmem>>) target_semaphore(%run_scoped3A : memref<!tpu.dma_semaphore, #tpu.memory_space<semaphore_mem>>)
      tpu.wait_dma2 semaphore(%run_scoped3A : memref<!tpu.dma_semaphore, #tpu.memory_space<semaphore_mem>>) src(%arg2 : memref<10000xf32, #tpu.memory_space<hbm>>) dst(%arg8 : memref<10000xf32, #tpu.memory_space<vmem>>)
      tpu.yield
    }) : () -> ()
    "tpu.region"() ({
      %run_scoped3A = tpu.sem_alloc : memref<!tpu.dma_semaphore, #tpu.memory_space<semaphore_mem>>
      tpu.enqueue_dma source(%arg3 : memref<10000xf32, #tpu.memory_space<hbm>>) target(%arg9 : memref<10000xf32, #tpu.memory_space<vmem>>) target_semaphore(%run_scoped3A : memref<!tpu.dma_semaphore, #tpu.memory_space<semaphore_mem>>)
      tpu.wait_dma2 semaphore(%run_scoped3A : memref<!tpu.dma_semaphore, #tpu.memory_space<semaphore_mem>>) src(%arg3 : memref<10000xf32, #tpu.memory_space<hbm>>) dst(%arg9 : memref<10000xf32, #tpu.memory_space<vmem>>)
      tpu.yield
    }) : () -> ()
    "tpu.region"() ({
      %run_scoped3A = tpu.sem_alloc : memref<!tpu.dma_semaphore, #tpu.memory_space<semaphore_mem>>
      tpu.enqueue_dma source(%arg4 : memref<10000xf32, #tpu.memory_space<hbm>>) target(%arg10 : memref<10000xf32, #tpu.memory_space<vmem>>) target_semaphore(%run_scoped3A : memref<!tpu.dma_semaphore, #tpu.memory_space<semaphore_mem>>)
      tpu.wait_dma2 semaphore(%run_scoped3A : memref<!tpu.dma_semaphore, #tpu.memory_space<semaphore_mem>>) src(%arg4 : memref<10000xf32, #tpu.memory_space<hbm>>) dst(%arg10 : memref<10000xf32, #tpu.memory_space<vmem>>)
      tpu.yield
    }) : () -> ()
    %broadcast_in_dim3A = arith.constant 0 : i32
    %broadcast_in_dim3A_1 = vector.broadcast %broadcast_in_dim3A : i32 to vector<16xi32>
    %broadcast_in_dim3A_2 = arith.constant 0.000000e+00 : f32
    %broadcast_in_dim3A_3 = vector.broadcast %broadcast_in_dim3A_2 : f32 to vector<16xf32>
    %scan3A = arith.constant 0 : i32
    %scan3A_4 = arith.constant 80 : i32
    %scan3A_5 = arith.addi %scan3A, %scan3A_4 : i32
    %scan3A_6 = arith.constant 1 : i32
    scf.for %scan3A_13 = %scan3A to %scan3A_5 step %scan3A_6  : i32 {
      %mul3A_14 = arith.constant 1 : i32
      %mul3A_15 = arith.muli %scan3A_13, %mul3A_14 : i32
      %add3A_16 = arith.constant 0 : i32
      %add3A_17 = arith.addi %add3A_16, %mul3A_15 : i32
      %swap3A = arith.index_cast %add3A_17 : i32 to index
      %swap3A_18 = arith.constant 0 : index
      %swap3A_19 = tpu.vector_load %arg13[%swap3A, %swap3A_18] {strides = array<i32>} : memref<80x16xf32, #tpu.memory_space<vmem>>, vector<16xf32>,
      tpu.vector_store %arg13[%swap3A, %swap3A_18], %broadcast_in_dim3A_3 {strides = array<i32>} : memref<80x16xf32, #tpu.memory_space<vmem>>, vector<16xf32>,
    }
    %scan3A_7 = arith.constant 80 : i32
    %scan3A_8 = arith.constant 0 : i32
    %scan3A_9 = arith.constant 5 : i32
    %scan3A_10 = arith.addi %scan3A_8, %scan3A_9 : i32
    %scan3A_11 = arith.constant 1 : i32
    scf.for %scan3A_13 = %scan3A_8 to %scan3A_10 step %scan3A_11  : i32 {
      %mul3A_14 = arith.constant 1 : i32
      %mul3A_15 = arith.muli %scan3A_13, %mul3A_14 : i32
      %add3A_16 = arith.constant 0 : i32
      %add3A_17 = arith.addi %add3A_16, %mul3A_15 : i32
      "tpu.region"() ({
        %run_scoped3A = tpu.sem_alloc : memref<!tpu.dma_semaphore, #tpu.memory_space<semaphore_mem>>
        %dma_start3A = arith.constant 0 : i32
        %dma_start3A_23 = arith.constant 0 : i32
        %dma_start3A_24 = tpu.memref_slice %arg5[%add3A, %add3A_17, %dma_start3A, %dma_start3A_23] : memref<32x5x25x80xi32, #tpu.memory_space<hbm>> -> memref<1x1x25x80xi32, #tpu.memory_space<hbm>>
        %dma_start3A_25 = tpu.memref_squeeze %dma_start3A_24 : memref<1x1x25x80xi32, #tpu.memory_space<hbm>> -> memref<25x80xi32, #tpu.memory_space<hbm>>
        %dma_start3A_26 = arith.constant 0 : i32
        %dma_start3A_27 = arith.constant 0 : i32
        %dma_start3A_28 = tpu.memref_slice %arg5[%add3A, %add3A_17, %dma_start3A_26, %dma_start3A_27] : memref<32x5x25x80xi32, #tpu.memory_space<hbm>> -> memref<1x1x25x80xi32, #tpu.memory_space<hbm>>
        %dma_start3A_29 = tpu.memref_squeeze %dma_start3A_28 : memref<1x1x25x80xi32, #tpu.memory_space<hbm>> -> memref<25x80xi32, #tpu.memory_space<hbm>>
        tpu.enqueue_dma source(%dma_start3A_29 : memref<25x80xi32, #tpu.memory_space<hbm>>) target(%arg11 : memref<25x80xi32, #tpu.memory_space<vmem>>) target_semaphore(%run_scoped3A : memref<!tpu.dma_semaphore, #tpu.memory_space<semaphore_mem>>)
        %dma_wait3A = arith.constant 0 : i32
        %dma_wait3A_30 = arith.constant 0 : i32
        %dma_wait3A_31 = tpu.memref_slice %arg5[%add3A, %add3A_17, %dma_wait3A, %dma_wait3A_30] : memref<32x5x25x80xi32, #tpu.memory_space<hbm>> -> memref<1x1x25x80xi32, #tpu.memory_space<hbm>>
        %dma_wait3A_32 = tpu.memref_squeeze %dma_wait3A_31 : memref<1x1x25x80xi32, #tpu.memory_space<hbm>> -> memref<25x80xi32, #tpu.memory_space<hbm>>
        %dma_wait3A_33 = arith.constant 0 : i32
        %dma_wait3A_34 = arith.constant 0 : i32
        %dma_wait3A_35 = tpu.memref_slice %arg5[%add3A, %add3A_17, %dma_wait3A_33, %dma_wait3A_34] : memref<32x5x25x80xi32, #tpu.memory_space<hbm>> -> memref<1x1x25x80xi32, #tpu.memory_space<hbm>>
        %dma_wait3A_36 = tpu.memref_squeeze %dma_wait3A_35 : memref<1x1x25x80xi32, #tpu.memory_space<hbm>> -> memref<25x80xi32, #tpu.memory_space<hbm>>
        tpu.wait_dma2 semaphore(%run_scoped3A : memref<!tpu.dma_semaphore, #tpu.memory_space<semaphore_mem>>) src(%dma_wait3A_36 : memref<25x80xi32, #tpu.memory_space<hbm>>) dst(%arg11 : memref<25x80xi32, #tpu.memory_space<vmem>>)
        tpu.yield
      }) : () -> ()
      "tpu.region"() ({
        %run_scoped3A = tpu.sem_alloc : memref<!tpu.dma_semaphore, #tpu.memory_space<semaphore_mem>>
        %dma_start3A = arith.constant 0 : i32
        %dma_start3A_23 = arith.constant 0 : i32
        %dma_start3A_24 = tpu.memref_slice %arg6[%add3A, %add3A_17, %dma_start3A, %dma_start3A_23] : memref<32x5x25x80xi32, #tpu.memory_space<hbm>> -> memref<1x1x25x80xi32, #tpu.memory_space<hbm>>
        %dma_start3A_25 = tpu.memref_squeeze %dma_start3A_24 : memref<1x1x25x80xi32, #tpu.memory_space<hbm>> -> memref<25x80xi32, #tpu.memory_space<hbm>>
        %dma_start3A_26 = arith.constant 0 : i32
        %dma_start3A_27 = arith.constant 0 : i32
        %dma_start3A_28 = tpu.memref_slice %arg6[%add3A, %add3A_17, %dma_start3A_26, %dma_start3A_27] : memref<32x5x25x80xi32, #tpu.memory_space<hbm>> -> memref<1x1x25x80xi32, #tpu.memory_space<hbm>>
        %dma_start3A_29 = tpu.memref_squeeze %dma_start3A_28 : memref<1x1x25x80xi32, #tpu.memory_space<hbm>> -> memref<25x80xi32, #tpu.memory_space<hbm>>
        tpu.enqueue_dma source(%dma_start3A_29 : memref<25x80xi32, #tpu.memory_space<hbm>>) target(%arg12 : memref<25x80xi32, #tpu.memory_space<vmem>>) target_semaphore(%run_scoped3A : memref<!tpu.dma_semaphore, #tpu.memory_space<semaphore_mem>>)
        %dma_wait3A = arith.constant 0 : i32
        %dma_wait3A_30 = arith.constant 0 : i32
        %dma_wait3A_31 = tpu.memref_slice %arg6[%add3A, %add3A_17, %dma_wait3A, %dma_wait3A_30] : memref<32x5x25x80xi32, #tpu.memory_space<hbm>> -> memref<1x1x25x80xi32, #tpu.memory_space<hbm>>
        %dma_wait3A_32 = tpu.memref_squeeze %dma_wait3A_31 : memref<1x1x25x80xi32, #tpu.memory_space<hbm>> -> memref<25x80xi32, #tpu.memory_space<hbm>>
        %dma_wait3A_33 = arith.constant 0 : i32
        %dma_wait3A_34 = arith.constant 0 : i32
        %dma_wait3A_35 = tpu.memref_slice %arg6[%add3A, %add3A_17, %dma_wait3A_33, %dma_wait3A_34] : memref<32x5x25x80xi32, #tpu.memory_space<hbm>> -> memref<1x1x25x80xi32, #tpu.memory_space<hbm>>
        %dma_wait3A_36 = tpu.memref_squeeze %dma_wait3A_35 : memref<1x1x25x80xi32, #tpu.memory_space<hbm>> -> memref<25x80xi32, #tpu.memory_space<hbm>>
        tpu.wait_dma2 semaphore(%run_scoped3A : memref<!tpu.dma_semaphore, #tpu.memory_space<semaphore_mem>>) src(%dma_wait3A_36 : memref<25x80xi32, #tpu.memory_space<hbm>>) dst(%arg12 : memref<25x80xi32, #tpu.memory_space<vmem>>)
        tpu.yield
      }) : () -> ()
      %scan3A_18 = arith.constant 0 : i32
      %scan3A_19 = arith.constant 25 : i32
      %scan3A_20 = arith.addi %scan3A_18, %scan3A_19 : i32
      %scan3A_21 = arith.constant 1 : i32
      scf.for %scan3A_23 = %scan3A_18 to %scan3A_20 step %scan3A_21  : i32 {
        %mul3A_24 = arith.constant 1 : i32
        %mul3A_25 = arith.muli %scan3A_23, %mul3A_24 : i32
        %add3A_26 = arith.constant 0 : i32
        %add3A_27 = arith.addi %add3A_26, %mul3A_25 : i32
        %broadcast_in_dim3A_28 = vector.broadcast %add3A_27 : i32 to vector<16xi32>
        %scan3A_29 = arith.constant 0 : i32
        %scan3A_30 = arith.constant 5 : i32
        %scan3A_31 = arith.addi %scan3A_29, %scan3A_30 : i32
        %scan3A_32 = arith.constant 1 : i32
        scf.for %scan3A_42 = %scan3A_29 to %scan3A_31 step %scan3A_32  : i32 {
          %mul3A_43 = arith.constant 1 : i32
          %mul3A_44 = arith.muli %scan3A_42, %mul3A_43 : i32
          %add3A_45 = arith.constant 0 : i32
          %add3A_46 = arith.addi %add3A_45, %mul3A_44 : i32
          %mul3A_47 = arith.constant 16 : i32
          %mul3A_48 = arith.muli %add3A_46, %mul3A_47 : i32
          %iota3A = tpu.iota {dimensions = array<i32: 0>} : vector<16xi32>
          %add3A_49 = vector.broadcast %mul3A_48 : i32 to vector<16xi32>
          %add3A_50 = arith.addi %add3A_49, %iota3A : vector<16xi32>
          %gather3A = tpu.vector_load_idx %arg11[%broadcast_in_dim3A_28, %add3A_50] : memref<25x80xi32, #tpu.memory_space<vmem>>[vector<16xi32>, vector<16xi32>], vector<16xi32>,
          %gather3A_51 = tpu.vector_load_idx %arg12[%broadcast_in_dim3A_28, %add3A_50] : memref<25x80xi32, #tpu.memory_space<vmem>>[vector<16xi32>, vector<16xi32>], vector<16xi32>,
          %gather3A_52 = tpu.vector_load_idx %arg8[%gather3A] : memref<10000xf32, #tpu.memory_space<vmem>>[vector<16xi32>], vector<16xf32>,
          %gather3A_53 = tpu.vector_load_idx %arg8[%gather3A_51] : memref<10000xf32, #tpu.memory_space<vmem>>[vector<16xi32>], vector<16xf32>,
          %sub3A = arith.subf %gather3A_52, %gather3A_53 : vector<16xf32>
          %gather3A_54 = tpu.vector_load_idx %arg9[%gather3A] : memref<10000xf32, #tpu.memory_space<vmem>>[vector<16xi32>], vector<16xf32>,
          %gather3A_55 = tpu.vector_load_idx %arg9[%gather3A_51] : memref<10000xf32, #tpu.memory_space<vmem>>[vector<16xi32>], vector<16xf32>,
          %sub3A_56 = arith.subf %gather3A_54, %gather3A_55 : vector<16xf32>
          %gather3A_57 = tpu.vector_load_idx %arg10[%gather3A] : memref<10000xf32, #tpu.memory_space<vmem>>[vector<16xi32>], vector<16xf32>,
          %gather3A_58 = tpu.vector_load_idx %arg10[%gather3A_51] : memref<10000xf32, #tpu.memory_space<vmem>>[vector<16xi32>], vector<16xf32>,
          %sub3A_59 = arith.subf %gather3A_57, %gather3A_58 : vector<16xf32>
          tpu.vector_store_idx %arg13[%add3A_50, %broadcast_in_dim3A_1], %sub3A : memref<80x16xf32, #tpu.memory_space<vmem>>[vector<16xi32>, vector<16xi32>], vector<16xf32>,
          %add3A_60 = arith.constant 1 : i32
          %add3A_61 = vector.broadcast %add3A_60 : i32 to vector<16xi32>
          %add3A_62 = arith.addi %broadcast_in_dim3A_1, %add3A_61 : vector<16xi32>
          tpu.vector_store_idx %arg13[%add3A_50, %add3A_62], %sub3A_56 : memref<80x16xf32, #tpu.memory_space<vmem>>[vector<16xi32>, vector<16xi32>], vector<16xf32>,
          %add3A_63 = arith.constant 2 : i32
          %add3A_64 = vector.broadcast %add3A_63 : i32 to vector<16xi32>
          %add3A_65 = arith.addi %broadcast_in_dim3A_1, %add3A_64 : vector<16xi32>
          tpu.vector_store_idx %arg13[%add3A_50, %add3A_65], %sub3A_59 : memref<80x16xf32, #tpu.memory_space<vmem>>[vector<16xi32>, vector<16xi32>], vector<16xf32>,
        }
        %scan3A_33 = arith.constant 5 : i32
        %mul3A_34 = arith.constant 10000 : i32
        %mul3A_35 = arith.muli %add3A, %mul3A_34 : i32
        %mul3A_36 = arith.constant 25 : i32
        %mul3A_37 = arith.muli %add3A_17, %mul3A_36 : i32
        %add3A_38 = arith.addi %mul3A_37, %add3A_27 : i32
        %mul3A_39 = arith.constant 80 : i32
        %mul3A_40 = arith.muli %add3A_38, %mul3A_39 : i32
        %add3A_41 = arith.addi %mul3A_35, %mul3A_40 : i32
        "tpu.region"() ({
          %run_scoped3A = tpu.sem_alloc : memref<!tpu.dma_semaphore, #tpu.memory_space<semaphore_mem>>
          %dma_start3A = arith.constant 0 : i32
          %dma_start3A_42 = tpu.memref_slice %arg7[%add3A_41, %dma_start3A] : memref<320000x16xf32, #tpu.memory_space<hbm>> -> memref<80x16xf32, #tpu.memory_space<hbm>>
          %dma_start3A_43 = arith.constant 0 : i32
          %dma_start3A_44 = tpu.memref_slice %arg7[%add3A_41, %dma_start3A_43] : memref<320000x16xf32, #tpu.memory_space<hbm>> -> memref<80x16xf32, #tpu.memory_space<hbm>>
          tpu.enqueue_dma source(%arg13 : memref<80x16xf32, #tpu.memory_space<vmem>>) target(%dma_start3A_44 : memref<80x16xf32, #tpu.memory_space<hbm>>) target_semaphore(%run_scoped3A : memref<!tpu.dma_semaphore, #tpu.memory_space<semaphore_mem>>)
          %dma_wait3A = arith.constant 0 : i32
          %dma_wait3A_45 = tpu.memref_slice %arg7[%add3A_41, %dma_wait3A] : memref<320000x16xf32, #tpu.memory_space<hbm>> -> memref<80x16xf32, #tpu.memory_space<hbm>>
          %dma_wait3A_46 = arith.constant 0 : i32
          %dma_wait3A_47 = tpu.memref_slice %arg7[%add3A_41, %dma_wait3A_46] : memref<320000x16xf32, #tpu.memory_space<hbm>> -> memref<80x16xf32, #tpu.memory_space<hbm>>
          tpu.wait_dma2 semaphore(%run_scoped3A : memref<!tpu.dma_semaphore, #tpu.memory_space<semaphore_mem>>) src(%arg13 : memref<80x16xf32, #tpu.memory_space<vmem>>) dst(%dma_wait3A_47 : memref<80x16xf32, #tpu.memory_space<hbm>>)
          tpu.yield
        }) : () -> ()
      }
      %scan3A_22 = arith.constant 25 : i32
    }
    %scan3A_12 = arith.constant 5 : i32
    return
  }
}

#map = affine_map<(d0, d1) -> (0, 0)>
#map1 = affine_map<(d0, d1) -> (0, 0, 0, 0)>
module attributes {stable_mosaic.version = 14 : i64} {
  func.func @_scatter_body(%arg0: i32, %arg1: i32, %arg2: memref<320000x128xf32, #tpu.memory_space<hbm>>, %arg3: memref<320000x16xf32, #tpu.memory_space<hbm>>, %arg4: memref<16x5x50x80xi32, #tpu.memory_space<hbm>>, %arg5: memref<10000x128xf32, #tpu.memory_space<hbm>>, %arg6: memref<10000x128xf32, #tpu.memory_space<hbm>>, %arg7: memref<10000x128xf32, #tpu.memory_space<hbm>>, %arg8: memref<10000x128xf32, #tpu.memory_space<hbm>>, %arg9: memref<10000x128xf32, #tpu.memory_space<vmem_shared>>, %arg10: memref<50x80xi32, #tpu.memory_space<vmem>>, %arg11: memref<2x80x128xf32, #tpu.memory_space<vmem>>, %arg12: memref<80x16xf32, #tpu.memory_space<vmem>>, %arg13: memref<80x128xf32, #tpu.memory_space<vmem>>, %arg14: memref<!tpu.dma_semaphore, #tpu.memory_space<semaphore_mem>>) attributes {dimension_semantics = [#tpu.dimension_semantics<core_parallel>, #tpu.dimension_semantics<subcore_parallel>], iteration_bounds = array<i64: 2, 16>, scalar_prefetch = 0 : i64, scratch_operands = 6 : i64, tpu.core_type = #tpu.core_type<sc_vector_subcore>, window_params = [{transform_indices = #map}, {transform_indices = #map}, {transform_indices = #map1}, {transform_indices = #map}, {transform_indices = #map}, {transform_indices = #map}, {transform_indices = #map}]} {
    %mul3A = arith.constant 624 : i32
    %mul3A_0 = arith.muli %arg1, %mul3A : i32
    %eq3A = arith.constant 0 : i32
    %eq3A_1 = arith.cmpi eq, %arg0, %eq3A : i32
    %convert_element_type3A = arith.extui %eq3A_1 : i1 to i32
    %cond3A = arith.constant 0 : i32
    %cond3A_2 = arith.cmpi ne, %convert_element_type3A, %cond3A : i32
    scf.if %cond3A_2 {
      %dma_start3A = arith.constant 0 : i32
      %dma_start3A_28 = tpu.memref_slice %arg9[%mul3A_0, %dma_start3A] : memref<10000x128xf32, #tpu.memory_space<vmem_shared>> -> memref<624x128xf32, #tpu.memory_space<vmem_shared>>
      %dma_start3A_29 = arith.constant 0 : i32
      %dma_start3A_30 = tpu.memref_slice %arg5[%mul3A_0, %dma_start3A_29] : memref<10000x128xf32, #tpu.memory_space<hbm>> -> memref<624x128xf32, #tpu.memory_space<hbm>>
      tpu.enqueue_dma source(%dma_start3A_30 : memref<624x128xf32, #tpu.memory_space<hbm>>) target(%dma_start3A_28 : memref<624x128xf32, #tpu.memory_space<vmem_shared>>) target_semaphore(%arg14 : memref<!tpu.dma_semaphore, #tpu.memory_space<semaphore_mem>>)
      %dma_wait3A = arith.constant 0 : i32
      %dma_wait3A_31 = tpu.memref_slice %arg9[%mul3A_0, %dma_wait3A] : memref<10000x128xf32, #tpu.memory_space<vmem_shared>> -> memref<624x128xf32, #tpu.memory_space<vmem_shared>>
      %dma_wait3A_32 = arith.constant 0 : i32
      %dma_wait3A_33 = tpu.memref_slice %arg5[%mul3A_0, %dma_wait3A_32] : memref<10000x128xf32, #tpu.memory_space<hbm>> -> memref<624x128xf32, #tpu.memory_space<hbm>>
      tpu.wait_dma2 semaphore(%arg14 : memref<!tpu.dma_semaphore, #tpu.memory_space<semaphore_mem>>) src(%dma_wait3A_33 : memref<624x128xf32, #tpu.memory_space<hbm>>) dst(%dma_wait3A_31 : memref<624x128xf32, #tpu.memory_space<vmem_shared>>)
      %eq3A_34 = arith.constant 15 : i32
      %eq3A_35 = arith.cmpi eq, %arg1, %eq3A_34 : i32
      %convert_element_type3A_36 = arith.extui %eq3A_35 : i1 to i32
      %cond3A_37 = arith.constant 0 : i32
      %cond3A_38 = arith.cmpi ne, %convert_element_type3A_36, %cond3A_37 : i32
      scf.if %cond3A_38 {
        %dma_start3A_39 = arith.constant 9984 : i32
        %dma_start3A_40 = arith.constant 0 : i32
        %dma_start3A_41 = tpu.memref_slice %arg9[%dma_start3A_39, %dma_start3A_40] : memref<10000x128xf32, #tpu.memory_space<vmem_shared>> -> memref<16x128xf32, #tpu.memory_space<vmem_shared>>
        %dma_start3A_42 = arith.constant 9984 : i32
        %dma_start3A_43 = arith.constant 0 : i32
        %dma_start3A_44 = tpu.memref_slice %arg5[%dma_start3A_42, %dma_start3A_43] : memref<10000x128xf32, #tpu.memory_space<hbm>> -> memref<16x128xf32, #tpu.memory_space<hbm>>
        tpu.enqueue_dma source(%dma_start3A_44 : memref<16x128xf32, #tpu.memory_space<hbm>>) target(%dma_start3A_41 : memref<16x128xf32, #tpu.memory_space<vmem_shared>>) target_semaphore(%arg14 : memref<!tpu.dma_semaphore, #tpu.memory_space<semaphore_mem>>)
        %dma_wait3A_45 = arith.constant 9984 : i32
        %dma_wait3A_46 = arith.constant 0 : i32
        %dma_wait3A_47 = tpu.memref_slice %arg9[%dma_wait3A_45, %dma_wait3A_46] : memref<10000x128xf32, #tpu.memory_space<vmem_shared>> -> memref<16x128xf32, #tpu.memory_space<vmem_shared>>
        %dma_wait3A_48 = arith.constant 9984 : i32
        %dma_wait3A_49 = arith.constant 0 : i32
        %dma_wait3A_50 = tpu.memref_slice %arg5[%dma_wait3A_48, %dma_wait3A_49] : memref<10000x128xf32, #tpu.memory_space<hbm>> -> memref<16x128xf32, #tpu.memory_space<hbm>>
        tpu.wait_dma2 semaphore(%arg14 : memref<!tpu.dma_semaphore, #tpu.memory_space<semaphore_mem>>) src(%dma_wait3A_50 : memref<16x128xf32, #tpu.memory_space<hbm>>) dst(%dma_wait3A_47 : memref<16x128xf32, #tpu.memory_space<vmem_shared>>)
      } else {
      }
    } else {
    }
    %ne3A = arith.constant 0 : i32
    %ne3A_3 = arith.cmpi ne, %arg0, %ne3A : i32
    %convert_element_type3A_4 = arith.extui %ne3A_3 : i1 to i32
    %cond3A_5 = arith.constant 0 : i32
    %cond3A_6 = arith.cmpi ne, %convert_element_type3A_4, %cond3A_5 : i32
    scf.if %cond3A_6 {
      %dma_start3A = arith.constant 0 : i32
      %dma_start3A_28 = tpu.memref_slice %arg9[%mul3A_0, %dma_start3A] : memref<10000x128xf32, #tpu.memory_space<vmem_shared>> -> memref<624x128xf32, #tpu.memory_space<vmem_shared>>
      %dma_start3A_29 = arith.constant 0 : i32
      %dma_start3A_30 = tpu.memref_slice %arg6[%mul3A_0, %dma_start3A_29] : memref<10000x128xf32, #tpu.memory_space<hbm>> -> memref<624x128xf32, #tpu.memory_space<hbm>>
      tpu.enqueue_dma source(%dma_start3A_30 : memref<624x128xf32, #tpu.memory_space<hbm>>) target(%dma_start3A_28 : memref<624x128xf32, #tpu.memory_space<vmem_shared>>) target_semaphore(%arg14 : memref<!tpu.dma_semaphore, #tpu.memory_space<semaphore_mem>>)
      %dma_wait3A = arith.constant 0 : i32
      %dma_wait3A_31 = tpu.memref_slice %arg9[%mul3A_0, %dma_wait3A] : memref<10000x128xf32, #tpu.memory_space<vmem_shared>> -> memref<624x128xf32, #tpu.memory_space<vmem_shared>>
      %dma_wait3A_32 = arith.constant 0 : i32
      %dma_wait3A_33 = tpu.memref_slice %arg6[%mul3A_0, %dma_wait3A_32] : memref<10000x128xf32, #tpu.memory_space<hbm>> -> memref<624x128xf32, #tpu.memory_space<hbm>>
      tpu.wait_dma2 semaphore(%arg14 : memref<!tpu.dma_semaphore, #tpu.memory_space<semaphore_mem>>) src(%dma_wait3A_33 : memref<624x128xf32, #tpu.memory_space<hbm>>) dst(%dma_wait3A_31 : memref<624x128xf32, #tpu.memory_space<vmem_shared>>)
      %eq3A_34 = arith.constant 15 : i32
      %eq3A_35 = arith.cmpi eq, %arg1, %eq3A_34 : i32
      %convert_element_type3A_36 = arith.extui %eq3A_35 : i1 to i32
      %cond3A_37 = arith.constant 0 : i32
      %cond3A_38 = arith.cmpi ne, %convert_element_type3A_36, %cond3A_37 : i32
      scf.if %cond3A_38 {
        %dma_start3A_39 = arith.constant 9984 : i32
        %dma_start3A_40 = arith.constant 0 : i32
        %dma_start3A_41 = tpu.memref_slice %arg9[%dma_start3A_39, %dma_start3A_40] : memref<10000x128xf32, #tpu.memory_space<vmem_shared>> -> memref<16x128xf32, #tpu.memory_space<vmem_shared>>
        %dma_start3A_42 = arith.constant 9984 : i32
        %dma_start3A_43 = arith.constant 0 : i32
        %dma_start3A_44 = tpu.memref_slice %arg6[%dma_start3A_42, %dma_start3A_43] : memref<10000x128xf32, #tpu.memory_space<hbm>> -> memref<16x128xf32, #tpu.memory_space<hbm>>
        tpu.enqueue_dma source(%dma_start3A_44 : memref<16x128xf32, #tpu.memory_space<hbm>>) target(%dma_start3A_41 : memref<16x128xf32, #tpu.memory_space<vmem_shared>>) target_semaphore(%arg14 : memref<!tpu.dma_semaphore, #tpu.memory_space<semaphore_mem>>)
        %dma_wait3A_45 = arith.constant 9984 : i32
        %dma_wait3A_46 = arith.constant 0 : i32
        %dma_wait3A_47 = tpu.memref_slice %arg9[%dma_wait3A_45, %dma_wait3A_46] : memref<10000x128xf32, #tpu.memory_space<vmem_shared>> -> memref<16x128xf32, #tpu.memory_space<vmem_shared>>
        %dma_wait3A_48 = arith.constant 9984 : i32
        %dma_wait3A_49 = arith.constant 0 : i32
        %dma_wait3A_50 = tpu.memref_slice %arg6[%dma_wait3A_48, %dma_wait3A_49] : memref<10000x128xf32, #tpu.memory_space<hbm>> -> memref<16x128xf32, #tpu.memory_space<hbm>>
        tpu.wait_dma2 semaphore(%arg14 : memref<!tpu.dma_semaphore, #tpu.memory_space<semaphore_mem>>) src(%dma_wait3A_50 : memref<16x128xf32, #tpu.memory_space<hbm>>) dst(%dma_wait3A_47 : memref<16x128xf32, #tpu.memory_space<vmem_shared>>)
      } else {
      }
    } else {
    }
    %barrier3A = arith.constant 0 : index
    tpu.barrier barrier_id(%barrier3A)
    %eq3A_7 = arith.constant 0 : i32
    %eq3A_8 = arith.cmpi eq, %arg0, %eq3A_7 : i32
    %convert_element_type3A_9 = arith.extui %eq3A_8 : i1 to i32
    %cond3A_10 = arith.constant 0 : i32
    %cond3A_11 = arith.cmpi ne, %convert_element_type3A_9, %cond3A_10 : i32
    scf.if %cond3A_11 {
      %scan3A = arith.constant 0 : i32
      %scan3A_28 = arith.constant 5 : i32
      %scan3A_29 = arith.addi %scan3A, %scan3A_28 : i32
      %scan3A_30 = arith.constant 1 : i32
      scf.for %scan3A_32 = %scan3A to %scan3A_29 step %scan3A_30  : i32 {
        %mul3A_33 = arith.constant 1 : i32
        %mul3A_34 = arith.muli %scan3A_32, %mul3A_33 : i32
        %add3A = arith.constant 0 : i32
        %add3A_35 = arith.addi %add3A, %mul3A_34 : i32
        %dma_start3A = arith.constant 0 : i32
        %dma_start3A_36 = arith.constant 0 : i32
        %dma_start3A_37 = tpu.memref_slice %arg4[%arg1, %add3A_35, %dma_start3A, %dma_start3A_36] : memref<16x5x50x80xi32, #tpu.memory_space<hbm>> -> memref<1x1x50x80xi32, #tpu.memory_space<hbm>>
        %dma_start3A_38 = tpu.memref_squeeze %dma_start3A_37 : memref<1x1x50x80xi32, #tpu.memory_space<hbm>> -> memref<50x80xi32, #tpu.memory_space<hbm>>
        %dma_start3A_39 = arith.constant 0 : i32
        %dma_start3A_40 = arith.constant 0 : i32
        %dma_start3A_41 = tpu.memref_slice %arg4[%arg1, %add3A_35, %dma_start3A_39, %dma_start3A_40] : memref<16x5x50x80xi32, #tpu.memory_space<hbm>> -> memref<1x1x50x80xi32, #tpu.memory_space<hbm>>
        %dma_start3A_42 = tpu.memref_squeeze %dma_start3A_41 : memref<1x1x50x80xi32, #tpu.memory_space<hbm>> -> memref<50x80xi32, #tpu.memory_space<hbm>>
        tpu.enqueue_dma source(%dma_start3A_42 : memref<50x80xi32, #tpu.memory_space<hbm>>) target(%arg10 : memref<50x80xi32, #tpu.memory_space<vmem>>) target_semaphore(%arg14 : memref<!tpu.dma_semaphore, #tpu.memory_space<semaphore_mem>>)
        %dma_wait3A = arith.constant 0 : i32
        %dma_wait3A_43 = arith.constant 0 : i32
        %dma_wait3A_44 = tpu.memref_slice %arg4[%arg1, %add3A_35, %dma_wait3A, %dma_wait3A_43] : memref<16x5x50x80xi32, #tpu.memory_space<hbm>> -> memref<1x1x50x80xi32, #tpu.memory_space<hbm>>
        %dma_wait3A_45 = tpu.memref_squeeze %dma_wait3A_44 : memref<1x1x50x80xi32, #tpu.memory_space<hbm>> -> memref<50x80xi32, #tpu.memory_space<hbm>>
        %dma_wait3A_46 = arith.constant 0 : i32
        %dma_wait3A_47 = arith.constant 0 : i32
        %dma_wait3A_48 = tpu.memref_slice %arg4[%arg1, %add3A_35, %dma_wait3A_46, %dma_wait3A_47] : memref<16x5x50x80xi32, #tpu.memory_space<hbm>> -> memref<1x1x50x80xi32, #tpu.memory_space<hbm>>
        %dma_wait3A_49 = tpu.memref_squeeze %dma_wait3A_48 : memref<1x1x50x80xi32, #tpu.memory_space<hbm>> -> memref<50x80xi32, #tpu.memory_space<hbm>>
        tpu.wait_dma2 semaphore(%arg14 : memref<!tpu.dma_semaphore, #tpu.memory_space<semaphore_mem>>) src(%dma_wait3A_49 : memref<50x80xi32, #tpu.memory_space<hbm>>) dst(%arg10 : memref<50x80xi32, #tpu.memory_space<vmem>>)
        %mul3A_50 = arith.constant 20000 : i32
        %mul3A_51 = arith.muli %arg1, %mul3A_50 : i32
        %mul3A_52 = arith.constant 50 : i32
        %mul3A_53 = arith.muli %add3A_35, %mul3A_52 : i32
        %mul3A_54 = arith.constant 80 : i32
        %mul3A_55 = arith.muli %mul3A_53, %mul3A_54 : i32
        %add3A_56 = arith.addi %mul3A_51, %mul3A_55 : i32
        %dma_start3A_57 = arith.constant 0 : i32
        %dma_start3A_58 = arith.constant 0 : i32
        %dma_start3A_59 = arith.constant 0 : i32
        %dma_start3A_60 = tpu.memref_slice %arg11[%dma_start3A_57, %dma_start3A_58, %dma_start3A_59] : memref<2x80x128xf32, #tpu.memory_space<vmem>> -> memref<1x80x128xf32, #tpu.memory_space<vmem>>
        %dma_start3A_61 = tpu.memref_squeeze %dma_start3A_60 : memref<1x80x128xf32, #tpu.memory_space<vmem>> -> memref<80x128xf32, #tpu.memory_space<vmem>>
        %dma_start3A_62 = arith.constant 0 : i32
        %dma_start3A_63 = tpu.memref_slice %arg2[%add3A_56, %dma_start3A_62] : memref<320000x128xf32, #tpu.memory_space<hbm>> -> memref<80x128xf32, #tpu.memory_space<hbm>>
        %dma_start3A_64 = arith.constant 0 : i32
        %dma_start3A_65 = arith.constant 0 : i32
        %dma_start3A_66 = tpu.memref_slice %arg11[%dma_start3A_57, %dma_start3A_64, %dma_start3A_65] : memref<2x80x128xf32, #tpu.memory_space<vmem>> -> memref<1x80x128xf32, #tpu.memory_space<vmem>>
        %dma_start3A_67 = tpu.memref_squeeze %dma_start3A_66 : memref<1x80x128xf32, #tpu.memory_space<vmem>> -> memref<80x128xf32, #tpu.memory_space<vmem>>
        %dma_start3A_68 = arith.constant 0 : i32
        %dma_start3A_69 = tpu.memref_slice %arg2[%add3A_56, %dma_start3A_68] : memref<320000x128xf32, #tpu.memory_space<hbm>> -> memref<80x128xf32, #tpu.memory_space<hbm>>
        tpu.enqueue_dma source(%dma_start3A_69 : memref<80x128xf32, #tpu.memory_space<hbm>>) target(%dma_start3A_67 : memref<80x128xf32, #tpu.memory_space<vmem>>) target_semaphore(%arg14 : memref<!tpu.dma_semaphore, #tpu.memory_space<semaphore_mem>>)
        %scan3A_70 = arith.constant 0 : i32
        %scan3A_71 = arith.constant 50 : i32
        %scan3A_72 = arith.addi %scan3A_70, %scan3A_71 : i32
        %scan3A_73 = arith.constant 1 : i32
        scf.for %scan3A_75 = %scan3A_70 to %scan3A_72 step %scan3A_73  : i32 {
          %mul3A_76 = arith.constant 1 : i32
          %mul3A_77 = arith.muli %scan3A_75, %mul3A_76 : i32
          %add3A_78 = arith.constant 0 : i32
          %add3A_79 = arith.addi %add3A_78, %mul3A_77 : i32
          %rem3A = arith.constant 2 : i32
          %rem3A_80 = arith.remsi %add3A_79, %rem3A : i32
          %dma_wait3A_81 = arith.constant 0 : i32
          %dma_wait3A_82 = arith.constant 0 : i32
          %dma_wait3A_83 = tpu.memref_slice %arg11[%rem3A_80, %dma_wait3A_81, %dma_wait3A_82] : memref<2x80x128xf32, #tpu.memory_space<vmem>> -> memref<1x80x128xf32, #tpu.memory_space<vmem>>
          %dma_wait3A_84 = tpu.memref_squeeze %dma_wait3A_83 : memref<1x80x128xf32, #tpu.memory_space<vmem>> -> memref<80x128xf32, #tpu.memory_space<vmem>>
          %dma_wait3A_85 = arith.constant 0 : i32
          %dma_wait3A_86 = tpu.memref_slice %arg2[%add3A_56, %dma_wait3A_85] : memref<320000x128xf32, #tpu.memory_space<hbm>> -> memref<80x128xf32, #tpu.memory_space<hbm>>
          %dma_wait3A_87 = arith.constant 0 : i32
          %dma_wait3A_88 = arith.constant 0 : i32
          %dma_wait3A_89 = tpu.memref_slice %arg11[%rem3A_80, %dma_wait3A_87, %dma_wait3A_88] : memref<2x80x128xf32, #tpu.memory_space<vmem>> -> memref<1x80x128xf32, #tpu.memory_space<vmem>>
          %dma_wait3A_90 = tpu.memref_squeeze %dma_wait3A_89 : memref<1x80x128xf32, #tpu.memory_space<vmem>> -> memref<80x128xf32, #tpu.memory_space<vmem>>
          %dma_wait3A_91 = arith.constant 0 : i32
          %dma_wait3A_92 = tpu.memref_slice %arg2[%add3A_56, %dma_wait3A_91] : memref<320000x128xf32, #tpu.memory_space<hbm>> -> memref<80x128xf32, #tpu.memory_space<hbm>>
          tpu.wait_dma2 semaphore(%arg14 : memref<!tpu.dma_semaphore, #tpu.memory_space<semaphore_mem>>) src(%dma_wait3A_92 : memref<80x128xf32, #tpu.memory_space<hbm>>) dst(%dma_wait3A_90 : memref<80x128xf32, #tpu.memory_space<vmem>>)
          %add3A_93 = arith.constant 1 : i32
          %add3A_94 = arith.addi %add3A_79, %add3A_93 : i32
          %lt3A = arith.constant 50 : i32
          %lt3A_95 = arith.cmpi slt, %add3A_94, %lt3A : i32
          %convert_element_type3A_96 = arith.extui %lt3A_95 : i1 to i32
          %cond3A_97 = arith.constant 0 : i32
          %cond3A_98 = arith.cmpi ne, %convert_element_type3A_96, %cond3A_97 : i32
          scf.if %cond3A_98 {
            %add3A_99 = arith.constant 1 : i32
            %add3A_100 = arith.addi %add3A_79, %add3A_99 : i32
            %mul3A_101 = arith.constant 80 : i32
            %mul3A_102 = arith.muli %add3A_100, %mul3A_101 : i32
            %add3A_103 = arith.addi %add3A_56, %mul3A_102 : i32
            %sub3A = arith.constant 1 : i32
            %sub3A_104 = arith.subi %sub3A, %rem3A_80 : i32
            %dma_start3A_105 = arith.constant 0 : i32
            %dma_start3A_106 = arith.constant 0 : i32
            %dma_start3A_107 = tpu.memref_slice %arg11[%sub3A_104, %dma_start3A_105, %dma_start3A_106] : memref<2x80x128xf32, #tpu.memory_space<vmem>> -> memref<1x80x128xf32, #tpu.memory_space<vmem>>
            %dma_start3A_108 = tpu.memref_squeeze %dma_start3A_107 : memref<1x80x128xf32, #tpu.memory_space<vmem>> -> memref<80x128xf32, #tpu.memory_space<vmem>>
            %dma_start3A_109 = arith.constant 0 : i32
            %dma_start3A_110 = tpu.memref_slice %arg2[%add3A_103, %dma_start3A_109] : memref<320000x128xf32, #tpu.memory_space<hbm>> -> memref<80x128xf32, #tpu.memory_space<hbm>>
            %dma_start3A_111 = arith.constant 0 : i32
            %dma_start3A_112 = arith.constant 0 : i32
            %dma_start3A_113 = tpu.memref_slice %arg11[%sub3A_104, %dma_start3A_111, %dma_start3A_112] : memref<2x80x128xf32, #tpu.memory_space<vmem>> -> memref<1x80x128xf32, #tpu.memory_space<vmem>>
            %dma_start3A_114 = tpu.memref_squeeze %dma_start3A_113 : memref<1x80x128xf32, #tpu.memory_space<vmem>> -> memref<80x128xf32, #tpu.memory_space<vmem>>
            %dma_start3A_115 = arith.constant 0 : i32
            %dma_start3A_116 = tpu.memref_slice %arg2[%add3A_103, %dma_start3A_115] : memref<320000x128xf32, #tpu.memory_space<hbm>> -> memref<80x128xf32, #tpu.memory_space<hbm>>
            tpu.enqueue_dma source(%dma_start3A_116 : memref<80x128xf32, #tpu.memory_space<hbm>>) target(%dma_start3A_114 : memref<80x128xf32, #tpu.memory_space<vmem>>) target_semaphore(%arg14 : memref<!tpu.dma_semaphore, #tpu.memory_space<semaphore_mem>>)
          } else {
          }
          "tpu.region"() ({
            %run_scoped3A = tpu.sem_alloc : memref<!tpu.dma_semaphore, #tpu.memory_space<semaphore_mem>>
            %dma_start3A_99 = arith.constant 0 : i32
            %dma_start3A_100 = arith.constant 0 : i32
            %dma_start3A_101 = tpu.memref_slice %arg11[%rem3A_80, %dma_start3A_99, %dma_start3A_100] : memref<2x80x128xf32, #tpu.memory_space<vmem>> -> memref<1x80x128xf32, #tpu.memory_space<vmem>>
            %dma_start3A_102 = tpu.memref_squeeze %dma_start3A_101 : memref<1x80x128xf32, #tpu.memory_space<vmem>> -> memref<80x128xf32, #tpu.memory_space<vmem>>
            %dma_start3A_103 = arith.constant 0 : i32
            %dma_start3A_104 = tpu.memref_slice %arg10[%add3A_79, %dma_start3A_103] : memref<50x80xi32, #tpu.memory_space<vmem>> -> memref<1x80xi32, #tpu.memory_space<vmem>>
            %dma_start3A_105 = tpu.memref_squeeze %dma_start3A_104 : memref<1x80xi32, #tpu.memory_space<vmem>> -> memref<80xi32, #tpu.memory_space<vmem>>
            %dma_start3A_106 = arith.constant 0 : i32
            %dma_start3A_107 = arith.constant 0 : i32
            %dma_start3A_108 = tpu.memref_slice %arg9[%dma_start3A_106, %dma_start3A_107] : memref<10000x128xf32, #tpu.memory_space<vmem_shared>> -> memref<10000x128xf32, #tpu.memory_space<vmem_shared>>
            tpu.enqueue_indirect_dma source(%dma_start3A_102 : memref<80x128xf32, #tpu.memory_space<vmem>>) target(%dma_start3A_108 : memref<10000x128xf32, #tpu.memory_space<vmem_shared>>) offsets(%dma_start3A_105 : memref<80xi32, #tpu.memory_space<vmem>>) semaphore(%run_scoped3A : memref<!tpu.dma_semaphore, #tpu.memory_space<semaphore_mem>>) {add = true}
            %dma_wait3A_109 = arith.constant 0 : i32
            %dma_wait3A_110 = arith.constant 0 : i32
            %dma_wait3A_111 = tpu.memref_slice %arg11[%rem3A_80, %dma_wait3A_109, %dma_wait3A_110] : memref<2x80x128xf32, #tpu.memory_space<vmem>> -> memref<1x80x128xf32, #tpu.memory_space<vmem>>
            %dma_wait3A_112 = tpu.memref_squeeze %dma_wait3A_111 : memref<1x80x128xf32, #tpu.memory_space<vmem>> -> memref<80x128xf32, #tpu.memory_space<vmem>>
            %dma_wait3A_113 = arith.constant 0 : i32
            %dma_wait3A_114 = tpu.memref_slice %arg10[%add3A_79, %dma_wait3A_113] : memref<50x80xi32, #tpu.memory_space<vmem>> -> memref<1x80xi32, #tpu.memory_space<vmem>>
            %dma_wait3A_115 = tpu.memref_squeeze %dma_wait3A_114 : memref<1x80xi32, #tpu.memory_space<vmem>> -> memref<80xi32, #tpu.memory_space<vmem>>
            %dma_wait3A_116 = arith.constant 0 : i32
            %dma_wait3A_117 = arith.constant 0 : i32
            %dma_wait3A_118 = tpu.memref_slice %arg9[%dma_wait3A_116, %dma_wait3A_117] : memref<10000x128xf32, #tpu.memory_space<vmem_shared>> -> memref<10000x128xf32, #tpu.memory_space<vmem_shared>>
            tpu.wait_indirect_dma semaphore(%run_scoped3A : memref<!tpu.dma_semaphore, #tpu.memory_space<semaphore_mem>>) src(%dma_wait3A_112 : memref<80x128xf32, #tpu.memory_space<vmem>>) dst(%dma_wait3A_118 : memref<10000x128xf32, #tpu.memory_space<vmem_shared>>)
            tpu.yield
          }) : () -> ()
        }
        %scan3A_74 = arith.constant 50 : i32
      }
      %scan3A_31 = arith.constant 5 : i32
    } else {
    }
    %ne3A_12 = arith.constant 0 : i32
    %ne3A_13 = arith.cmpi ne, %arg0, %ne3A_12 : i32
    %convert_element_type3A_14 = arith.extui %ne3A_13 : i1 to i32
    %cond3A_15 = arith.constant 0 : i32
    %cond3A_16 = arith.cmpi ne, %convert_element_type3A_14, %cond3A_15 : i32
    scf.if %cond3A_16 {
      %broadcast_in_dim3A = arith.constant 0.000000e+00 : f32
      %broadcast_in_dim3A_28 = vector.broadcast %broadcast_in_dim3A : f32 to vector<16xf32>
      %scan3A = arith.constant 0 : i32
      %scan3A_29 = arith.constant 80 : i32
      %scan3A_30 = arith.addi %scan3A, %scan3A_29 : i32
      %scan3A_31 = arith.constant 1 : i32
      scf.for %scan3A_38 = %scan3A to %scan3A_30 step %scan3A_31  : i32 {
        %mul3A_39 = arith.constant 1 : i32
        %mul3A_40 = arith.muli %scan3A_38, %mul3A_39 : i32
        %add3A = arith.constant 0 : i32
        %add3A_41 = arith.addi %add3A, %mul3A_40 : i32
        %swap3A = arith.index_cast %add3A_41 : i32 to index
        %swap3A_42 = arith.constant 0 : index
        %swap3A_43 = tpu.vector_load %arg13[%swap3A, %swap3A_42] {strides = array<i32>} : memref<80x128xf32, #tpu.memory_space<vmem>>, vector<1x16xf32>,
        %swap3A_44 = vector.shape_cast %swap3A_43 : vector<1x16xf32> to vector<16xf32>
        %swap3A_45 = vector.shape_cast %broadcast_in_dim3A_28 : vector<16xf32> to vector<1x16xf32>
        tpu.vector_store %arg13[%swap3A, %swap3A_42], %swap3A_45 {strides = array<i32>} : memref<80x128xf32, #tpu.memory_space<vmem>>, vector<1x16xf32>,
        %swap3A_46 = arith.index_cast %add3A_41 : i32 to index
        %swap3A_47 = arith.constant 16 : index
        %swap3A_48 = tpu.vector_load %arg13[%swap3A_46, %swap3A_47] {strides = array<i32>} : memref<80x128xf32, #tpu.memory_space<vmem>>, vector<1x16xf32>,
        %swap3A_49 = vector.shape_cast %swap3A_48 : vector<1x16xf32> to vector<16xf32>
        %swap3A_50 = vector.shape_cast %broadcast_in_dim3A_28 : vector<16xf32> to vector<1x16xf32>
        tpu.vector_store %arg13[%swap3A_46, %swap3A_47], %swap3A_50 {strides = array<i32>} : memref<80x128xf32, #tpu.memory_space<vmem>>, vector<1x16xf32>,
        %swap3A_51 = arith.index_cast %add3A_41 : i32 to index
        %swap3A_52 = arith.constant 32 : index
        %swap3A_53 = tpu.vector_load %arg13[%swap3A_51, %swap3A_52] {strides = array<i32>} : memref<80x128xf32, #tpu.memory_space<vmem>>, vector<1x16xf32>,
        %swap3A_54 = vector.shape_cast %swap3A_53 : vector<1x16xf32> to vector<16xf32>
        %swap3A_55 = vector.shape_cast %broadcast_in_dim3A_28 : vector<16xf32> to vector<1x16xf32>
        tpu.vector_store %arg13[%swap3A_51, %swap3A_52], %swap3A_55 {strides = array<i32>} : memref<80x128xf32, #tpu.memory_space<vmem>>, vector<1x16xf32>,
        %swap3A_56 = arith.index_cast %add3A_41 : i32 to index
        %swap3A_57 = arith.constant 48 : index
        %swap3A_58 = tpu.vector_load %arg13[%swap3A_56, %swap3A_57] {strides = array<i32>} : memref<80x128xf32, #tpu.memory_space<vmem>>, vector<1x16xf32>,
        %swap3A_59 = vector.shape_cast %swap3A_58 : vector<1x16xf32> to vector<16xf32>
        %swap3A_60 = vector.shape_cast %broadcast_in_dim3A_28 : vector<16xf32> to vector<1x16xf32>
        tpu.vector_store %arg13[%swap3A_56, %swap3A_57], %swap3A_60 {strides = array<i32>} : memref<80x128xf32, #tpu.memory_space<vmem>>, vector<1x16xf32>,
        %swap3A_61 = arith.index_cast %add3A_41 : i32 to index
        %swap3A_62 = arith.constant 64 : index
        %swap3A_63 = tpu.vector_load %arg13[%swap3A_61, %swap3A_62] {strides = array<i32>} : memref<80x128xf32, #tpu.memory_space<vmem>>, vector<1x16xf32>,
        %swap3A_64 = vector.shape_cast %swap3A_63 : vector<1x16xf32> to vector<16xf32>
        %swap3A_65 = vector.shape_cast %broadcast_in_dim3A_28 : vector<16xf32> to vector<1x16xf32>
        tpu.vector_store %arg13[%swap3A_61, %swap3A_62], %swap3A_65 {strides = array<i32>} : memref<80x128xf32, #tpu.memory_space<vmem>>, vector<1x16xf32>,
        %swap3A_66 = arith.index_cast %add3A_41 : i32 to index
        %swap3A_67 = arith.constant 80 : index
        %swap3A_68 = tpu.vector_load %arg13[%swap3A_66, %swap3A_67] {strides = array<i32>} : memref<80x128xf32, #tpu.memory_space<vmem>>, vector<1x16xf32>,
        %swap3A_69 = vector.shape_cast %swap3A_68 : vector<1x16xf32> to vector<16xf32>
        %swap3A_70 = vector.shape_cast %broadcast_in_dim3A_28 : vector<16xf32> to vector<1x16xf32>
        tpu.vector_store %arg13[%swap3A_66, %swap3A_67], %swap3A_70 {strides = array<i32>} : memref<80x128xf32, #tpu.memory_space<vmem>>, vector<1x16xf32>,
        %swap3A_71 = arith.index_cast %add3A_41 : i32 to index
        %swap3A_72 = arith.constant 96 : index
        %swap3A_73 = tpu.vector_load %arg13[%swap3A_71, %swap3A_72] {strides = array<i32>} : memref<80x128xf32, #tpu.memory_space<vmem>>, vector<1x16xf32>,
        %swap3A_74 = vector.shape_cast %swap3A_73 : vector<1x16xf32> to vector<16xf32>
        %swap3A_75 = vector.shape_cast %broadcast_in_dim3A_28 : vector<16xf32> to vector<1x16xf32>
        tpu.vector_store %arg13[%swap3A_71, %swap3A_72], %swap3A_75 {strides = array<i32>} : memref<80x128xf32, #tpu.memory_space<vmem>>, vector<1x16xf32>,
        %swap3A_76 = arith.index_cast %add3A_41 : i32 to index
        %swap3A_77 = arith.constant 112 : index
        %swap3A_78 = tpu.vector_load %arg13[%swap3A_76, %swap3A_77] {strides = array<i32>} : memref<80x128xf32, #tpu.memory_space<vmem>>, vector<1x16xf32>,
        %swap3A_79 = vector.shape_cast %swap3A_78 : vector<1x16xf32> to vector<16xf32>
        %swap3A_80 = vector.shape_cast %broadcast_in_dim3A_28 : vector<16xf32> to vector<1x16xf32>
        tpu.vector_store %arg13[%swap3A_76, %swap3A_77], %swap3A_80 {strides = array<i32>} : memref<80x128xf32, #tpu.memory_space<vmem>>, vector<1x16xf32>,
      }
      %scan3A_32 = arith.constant 80 : i32
      %scan3A_33 = arith.constant 0 : i32
      %scan3A_34 = arith.constant 5 : i32
      %scan3A_35 = arith.addi %scan3A_33, %scan3A_34 : i32
      %scan3A_36 = arith.constant 1 : i32
      scf.for %scan3A_38 = %scan3A_33 to %scan3A_35 step %scan3A_36  : i32 {
        %mul3A_39 = arith.constant 1 : i32
        %mul3A_40 = arith.muli %scan3A_38, %mul3A_39 : i32
        %add3A = arith.constant 0 : i32
        %add3A_41 = arith.addi %add3A, %mul3A_40 : i32
        %dma_start3A = arith.constant 0 : i32
        %dma_start3A_42 = arith.constant 0 : i32
        %dma_start3A_43 = tpu.memref_slice %arg4[%arg1, %add3A_41, %dma_start3A, %dma_start3A_42] : memref<16x5x50x80xi32, #tpu.memory_space<hbm>> -> memref<1x1x50x80xi32, #tpu.memory_space<hbm>>
        %dma_start3A_44 = tpu.memref_squeeze %dma_start3A_43 : memref<1x1x50x80xi32, #tpu.memory_space<hbm>> -> memref<50x80xi32, #tpu.memory_space<hbm>>
        %dma_start3A_45 = arith.constant 0 : i32
        %dma_start3A_46 = arith.constant 0 : i32
        %dma_start3A_47 = tpu.memref_slice %arg4[%arg1, %add3A_41, %dma_start3A_45, %dma_start3A_46] : memref<16x5x50x80xi32, #tpu.memory_space<hbm>> -> memref<1x1x50x80xi32, #tpu.memory_space<hbm>>
        %dma_start3A_48 = tpu.memref_squeeze %dma_start3A_47 : memref<1x1x50x80xi32, #tpu.memory_space<hbm>> -> memref<50x80xi32, #tpu.memory_space<hbm>>
        tpu.enqueue_dma source(%dma_start3A_48 : memref<50x80xi32, #tpu.memory_space<hbm>>) target(%arg10 : memref<50x80xi32, #tpu.memory_space<vmem>>) target_semaphore(%arg14 : memref<!tpu.dma_semaphore, #tpu.memory_space<semaphore_mem>>)
        %dma_wait3A = arith.constant 0 : i32
        %dma_wait3A_49 = arith.constant 0 : i32
        %dma_wait3A_50 = tpu.memref_slice %arg4[%arg1, %add3A_41, %dma_wait3A, %dma_wait3A_49] : memref<16x5x50x80xi32, #tpu.memory_space<hbm>> -> memref<1x1x50x80xi32, #tpu.memory_space<hbm>>
        %dma_wait3A_51 = tpu.memref_squeeze %dma_wait3A_50 : memref<1x1x50x80xi32, #tpu.memory_space<hbm>> -> memref<50x80xi32, #tpu.memory_space<hbm>>
        %dma_wait3A_52 = arith.constant 0 : i32
        %dma_wait3A_53 = arith.constant 0 : i32
        %dma_wait3A_54 = tpu.memref_slice %arg4[%arg1, %add3A_41, %dma_wait3A_52, %dma_wait3A_53] : memref<16x5x50x80xi32, #tpu.memory_space<hbm>> -> memref<1x1x50x80xi32, #tpu.memory_space<hbm>>
        %dma_wait3A_55 = tpu.memref_squeeze %dma_wait3A_54 : memref<1x1x50x80xi32, #tpu.memory_space<hbm>> -> memref<50x80xi32, #tpu.memory_space<hbm>>
        tpu.wait_dma2 semaphore(%arg14 : memref<!tpu.dma_semaphore, #tpu.memory_space<semaphore_mem>>) src(%dma_wait3A_55 : memref<50x80xi32, #tpu.memory_space<hbm>>) dst(%arg10 : memref<50x80xi32, #tpu.memory_space<vmem>>)
        %scan3A_56 = arith.constant 0 : i32
        %scan3A_57 = arith.constant 50 : i32
        %scan3A_58 = arith.addi %scan3A_56, %scan3A_57 : i32
        %scan3A_59 = arith.constant 1 : i32
        scf.for %scan3A_61 = %scan3A_56 to %scan3A_58 step %scan3A_59  : i32 {
          %mul3A_62 = arith.constant 1 : i32
          %mul3A_63 = arith.muli %scan3A_61, %mul3A_62 : i32
          %add3A_64 = arith.constant 0 : i32
          %add3A_65 = arith.addi %add3A_64, %mul3A_63 : i32
          %mul3A_66 = arith.constant 20000 : i32
          %mul3A_67 = arith.muli %arg1, %mul3A_66 : i32
          %mul3A_68 = arith.constant 50 : i32
          %mul3A_69 = arith.muli %add3A_41, %mul3A_68 : i32
          %add3A_70 = arith.addi %mul3A_69, %add3A_65 : i32
          %mul3A_71 = arith.constant 80 : i32
          %mul3A_72 = arith.muli %add3A_70, %mul3A_71 : i32
          %add3A_73 = arith.addi %mul3A_67, %mul3A_72 : i32
          %dma_start3A_74 = arith.constant 0 : i32
          %dma_start3A_75 = tpu.memref_slice %arg3[%add3A_73, %dma_start3A_74] : memref<320000x16xf32, #tpu.memory_space<hbm>> -> memref<80x16xf32, #tpu.memory_space<hbm>>
          %dma_start3A_76 = arith.constant 0 : i32
          %dma_start3A_77 = tpu.memref_slice %arg3[%add3A_73, %dma_start3A_76] : memref<320000x16xf32, #tpu.memory_space<hbm>> -> memref<80x16xf32, #tpu.memory_space<hbm>>
          tpu.enqueue_dma source(%dma_start3A_77 : memref<80x16xf32, #tpu.memory_space<hbm>>) target(%arg12 : memref<80x16xf32, #tpu.memory_space<vmem>>) target_semaphore(%arg14 : memref<!tpu.dma_semaphore, #tpu.memory_space<semaphore_mem>>)
          %dma_wait3A_78 = arith.constant 0 : i32
          %dma_wait3A_79 = tpu.memref_slice %arg3[%add3A_73, %dma_wait3A_78] : memref<320000x16xf32, #tpu.memory_space<hbm>> -> memref<80x16xf32, #tpu.memory_space<hbm>>
          %dma_wait3A_80 = arith.constant 0 : i32
          %dma_wait3A_81 = tpu.memref_slice %arg3[%add3A_73, %dma_wait3A_80] : memref<320000x16xf32, #tpu.memory_space<hbm>> -> memref<80x16xf32, #tpu.memory_space<hbm>>
          tpu.wait_dma2 semaphore(%arg14 : memref<!tpu.dma_semaphore, #tpu.memory_space<semaphore_mem>>) src(%dma_wait3A_81 : memref<80x16xf32, #tpu.memory_space<hbm>>) dst(%arg12 : memref<80x16xf32, #tpu.memory_space<vmem>>)
          %scan3A_82 = arith.constant 0 : i32
          %scan3A_83 = arith.constant 80 : i32
          %scan3A_84 = arith.addi %scan3A_82, %scan3A_83 : i32
          %scan3A_85 = arith.constant 1 : i32
          scf.for %scan3A_87 = %scan3A_82 to %scan3A_84 step %scan3A_85  : i32 {
            %mul3A_88 = arith.constant 1 : i32
            %mul3A_89 = arith.muli %scan3A_87, %mul3A_88 : i32
            %add3A_90 = arith.constant 0 : i32
            %add3A_91 = arith.addi %add3A_90, %mul3A_89 : i32
            %get3A = arith.index_cast %add3A_91 : i32 to index
            %get3A_92 = arith.constant 0 : index
            %get3A_93 = tpu.vector_load %arg12[%get3A, %get3A_92] {strides = array<i32>} : memref<80x16xf32, #tpu.memory_space<vmem>>, vector<1x16xf32>,
            %get3A_94 = vector.shape_cast %get3A_93 : vector<1x16xf32> to vector<16xf32>
            %swap3A = arith.index_cast %add3A_91 : i32 to index
            %swap3A_95 = arith.constant 0 : index
            %swap3A_96 = tpu.vector_load %arg13[%swap3A, %swap3A_95] {strides = array<i32>} : memref<80x128xf32, #tpu.memory_space<vmem>>, vector<1x16xf32>,
            %swap3A_97 = vector.shape_cast %swap3A_96 : vector<1x16xf32> to vector<16xf32>
            %swap3A_98 = vector.shape_cast %get3A_94 : vector<16xf32> to vector<1x16xf32>
            tpu.vector_store %arg13[%swap3A, %swap3A_95], %swap3A_98 {strides = array<i32>} : memref<80x128xf32, #tpu.memory_space<vmem>>, vector<1x16xf32>,
          }
          %scan3A_86 = arith.constant 80 : i32
          "tpu.region"() ({
            %run_scoped3A = tpu.sem_alloc : memref<!tpu.dma_semaphore, #tpu.memory_space<semaphore_mem>>
            %dma_start3A_87 = arith.constant 0 : i32
            %dma_start3A_88 = tpu.memref_slice %arg10[%add3A_65, %dma_start3A_87] : memref<50x80xi32, #tpu.memory_space<vmem>> -> memref<1x80xi32, #tpu.memory_space<vmem>>
            %dma_start3A_89 = tpu.memref_squeeze %dma_start3A_88 : memref<1x80xi32, #tpu.memory_space<vmem>> -> memref<80xi32, #tpu.memory_space<vmem>>
            %dma_start3A_90 = arith.constant 0 : i32
            %dma_start3A_91 = arith.constant 0 : i32
            %dma_start3A_92 = tpu.memref_slice %arg9[%dma_start3A_90, %dma_start3A_91] : memref<10000x128xf32, #tpu.memory_space<vmem_shared>> -> memref<10000x128xf32, #tpu.memory_space<vmem_shared>>
            tpu.enqueue_indirect_dma source(%arg13 : memref<80x128xf32, #tpu.memory_space<vmem>>) target(%dma_start3A_92 : memref<10000x128xf32, #tpu.memory_space<vmem_shared>>) offsets(%dma_start3A_89 : memref<80xi32, #tpu.memory_space<vmem>>) semaphore(%run_scoped3A : memref<!tpu.dma_semaphore, #tpu.memory_space<semaphore_mem>>) {add = true}
            %dma_wait3A_93 = arith.constant 0 : i32
            %dma_wait3A_94 = tpu.memref_slice %arg10[%add3A_65, %dma_wait3A_93] : memref<50x80xi32, #tpu.memory_space<vmem>> -> memref<1x80xi32, #tpu.memory_space<vmem>>
            %dma_wait3A_95 = tpu.memref_squeeze %dma_wait3A_94 : memref<1x80xi32, #tpu.memory_space<vmem>> -> memref<80xi32, #tpu.memory_space<vmem>>
            %dma_wait3A_96 = arith.constant 0 : i32
            %dma_wait3A_97 = arith.constant 0 : i32
            %dma_wait3A_98 = tpu.memref_slice %arg9[%dma_wait3A_96, %dma_wait3A_97] : memref<10000x128xf32, #tpu.memory_space<vmem_shared>> -> memref<10000x128xf32, #tpu.memory_space<vmem_shared>>
            tpu.wait_indirect_dma semaphore(%run_scoped3A : memref<!tpu.dma_semaphore, #tpu.memory_space<semaphore_mem>>) src(%arg13 : memref<80x128xf32, #tpu.memory_space<vmem>>) dst(%dma_wait3A_98 : memref<10000x128xf32, #tpu.memory_space<vmem_shared>>)
            tpu.yield
          }) : () -> ()
        }
        %scan3A_60 = arith.constant 50 : i32
      }
      %scan3A_37 = arith.constant 5 : i32
    } else {
    }
    %barrier3A_17 = arith.constant 0 : index
    tpu.barrier barrier_id(%barrier3A_17)
    %eq3A_18 = arith.constant 0 : i32
    %eq3A_19 = arith.cmpi eq, %arg0, %eq3A_18 : i32
    %convert_element_type3A_20 = arith.extui %eq3A_19 : i1 to i32
    %cond3A_21 = arith.constant 0 : i32
    %cond3A_22 = arith.cmpi ne, %convert_element_type3A_20, %cond3A_21 : i32
    scf.if %cond3A_22 {
      %dma_start3A = arith.constant 0 : i32
      %dma_start3A_28 = tpu.memref_slice %arg7[%mul3A_0, %dma_start3A] : memref<10000x128xf32, #tpu.memory_space<hbm>> -> memref<624x128xf32, #tpu.memory_space<hbm>>
      %dma_start3A_29 = arith.constant 0 : i32
      %dma_start3A_30 = tpu.memref_slice %arg9[%mul3A_0, %dma_start3A_29] : memref<10000x128xf32, #tpu.memory_space<vmem_shared>> -> memref<624x128xf32, #tpu.memory_space<vmem_shared>>
      tpu.enqueue_dma source(%dma_start3A_30 : memref<624x128xf32, #tpu.memory_space<vmem_shared>>) target(%dma_start3A_28 : memref<624x128xf32, #tpu.memory_space<hbm>>) target_semaphore(%arg14 : memref<!tpu.dma_semaphore, #tpu.memory_space<semaphore_mem>>)
      %dma_wait3A = arith.constant 0 : i32
      %dma_wait3A_31 = tpu.memref_slice %arg7[%mul3A_0, %dma_wait3A] : memref<10000x128xf32, #tpu.memory_space<hbm>> -> memref<624x128xf32, #tpu.memory_space<hbm>>
      %dma_wait3A_32 = arith.constant 0 : i32
      %dma_wait3A_33 = tpu.memref_slice %arg9[%mul3A_0, %dma_wait3A_32] : memref<10000x128xf32, #tpu.memory_space<vmem_shared>> -> memref<624x128xf32, #tpu.memory_space<vmem_shared>>
      tpu.wait_dma2 semaphore(%arg14 : memref<!tpu.dma_semaphore, #tpu.memory_space<semaphore_mem>>) src(%dma_wait3A_33 : memref<624x128xf32, #tpu.memory_space<vmem_shared>>) dst(%dma_wait3A_31 : memref<624x128xf32, #tpu.memory_space<hbm>>)
      %eq3A_34 = arith.constant 15 : i32
      %eq3A_35 = arith.cmpi eq, %arg1, %eq3A_34 : i32
      %convert_element_type3A_36 = arith.extui %eq3A_35 : i1 to i32
      %cond3A_37 = arith.constant 0 : i32
      %cond3A_38 = arith.cmpi ne, %convert_element_type3A_36, %cond3A_37 : i32
      scf.if %cond3A_38 {
        %dma_start3A_39 = arith.constant 9984 : i32
        %dma_start3A_40 = arith.constant 0 : i32
        %dma_start3A_41 = tpu.memref_slice %arg7[%dma_start3A_39, %dma_start3A_40] : memref<10000x128xf32, #tpu.memory_space<hbm>> -> memref<16x128xf32, #tpu.memory_space<hbm>>
        %dma_start3A_42 = arith.constant 9984 : i32
        %dma_start3A_43 = arith.constant 0 : i32
        %dma_start3A_44 = tpu.memref_slice %arg9[%dma_start3A_42, %dma_start3A_43] : memref<10000x128xf32, #tpu.memory_space<vmem_shared>> -> memref<16x128xf32, #tpu.memory_space<vmem_shared>>
        tpu.enqueue_dma source(%dma_start3A_44 : memref<16x128xf32, #tpu.memory_space<vmem_shared>>) target(%dma_start3A_41 : memref<16x128xf32, #tpu.memory_space<hbm>>) target_semaphore(%arg14 : memref<!tpu.dma_semaphore, #tpu.memory_space<semaphore_mem>>)
        %dma_wait3A_45 = arith.constant 9984 : i32
        %dma_wait3A_46 = arith.constant 0 : i32
        %dma_wait3A_47 = tpu.memref_slice %arg7[%dma_wait3A_45, %dma_wait3A_46] : memref<10000x128xf32, #tpu.memory_space<hbm>> -> memref<16x128xf32, #tpu.memory_space<hbm>>
        %dma_wait3A_48 = arith.constant 9984 : i32
        %dma_wait3A_49 = arith.constant 0 : i32
        %dma_wait3A_50 = tpu.memref_slice %arg9[%dma_wait3A_48, %dma_wait3A_49] : memref<10000x128xf32, #tpu.memory_space<vmem_shared>> -> memref<16x128xf32, #tpu.memory_space<vmem_shared>>
        tpu.wait_dma2 semaphore(%arg14 : memref<!tpu.dma_semaphore, #tpu.memory_space<semaphore_mem>>) src(%dma_wait3A_50 : memref<16x128xf32, #tpu.memory_space<vmem_shared>>) dst(%dma_wait3A_47 : memref<16x128xf32, #tpu.memory_space<hbm>>)
      } else {
      }
    } else {
    }
    %ne3A_23 = arith.constant 0 : i32
    %ne3A_24 = arith.cmpi ne, %arg0, %ne3A_23 : i32
    %convert_element_type3A_25 = arith.extui %ne3A_24 : i1 to i32
    %cond3A_26 = arith.constant 0 : i32
    %cond3A_27 = arith.cmpi ne, %convert_element_type3A_25, %cond3A_26 : i32
    scf.if %cond3A_27 {
      %dma_start3A = arith.constant 0 : i32
      %dma_start3A_28 = tpu.memref_slice %arg8[%mul3A_0, %dma_start3A] : memref<10000x128xf32, #tpu.memory_space<hbm>> -> memref<624x128xf32, #tpu.memory_space<hbm>>
      %dma_start3A_29 = arith.constant 0 : i32
      %dma_start3A_30 = tpu.memref_slice %arg9[%mul3A_0, %dma_start3A_29] : memref<10000x128xf32, #tpu.memory_space<vmem_shared>> -> memref<624x128xf32, #tpu.memory_space<vmem_shared>>
      tpu.enqueue_dma source(%dma_start3A_30 : memref<624x128xf32, #tpu.memory_space<vmem_shared>>) target(%dma_start3A_28 : memref<624x128xf32, #tpu.memory_space<hbm>>) target_semaphore(%arg14 : memref<!tpu.dma_semaphore, #tpu.memory_space<semaphore_mem>>)
      %dma_wait3A = arith.constant 0 : i32
      %dma_wait3A_31 = tpu.memref_slice %arg8[%mul3A_0, %dma_wait3A] : memref<10000x128xf32, #tpu.memory_space<hbm>> -> memref<624x128xf32, #tpu.memory_space<hbm>>
      %dma_wait3A_32 = arith.constant 0 : i32
      %dma_wait3A_33 = tpu.memref_slice %arg9[%mul3A_0, %dma_wait3A_32] : memref<10000x128xf32, #tpu.memory_space<vmem_shared>> -> memref<624x128xf32, #tpu.memory_space<vmem_shared>>
      tpu.wait_dma2 semaphore(%arg14 : memref<!tpu.dma_semaphore, #tpu.memory_space<semaphore_mem>>) src(%dma_wait3A_33 : memref<624x128xf32, #tpu.memory_space<vmem_shared>>) dst(%dma_wait3A_31 : memref<624x128xf32, #tpu.memory_space<hbm>>)
      %eq3A_34 = arith.constant 15 : i32
      %eq3A_35 = arith.cmpi eq, %arg1, %eq3A_34 : i32
      %convert_element_type3A_36 = arith.extui %eq3A_35 : i1 to i32
      %cond3A_37 = arith.constant 0 : i32
      %cond3A_38 = arith.cmpi ne, %convert_element_type3A_36, %cond3A_37 : i32
      scf.if %cond3A_38 {
        %dma_start3A_39 = arith.constant 9984 : i32
        %dma_start3A_40 = arith.constant 0 : i32
        %dma_start3A_41 = tpu.memref_slice %arg8[%dma_start3A_39, %dma_start3A_40] : memref<10000x128xf32, #tpu.memory_space<hbm>> -> memref<16x128xf32, #tpu.memory_space<hbm>>
        %dma_start3A_42 = arith.constant 9984 : i32
        %dma_start3A_43 = arith.constant 0 : i32
        %dma_start3A_44 = tpu.memref_slice %arg9[%dma_start3A_42, %dma_start3A_43] : memref<10000x128xf32, #tpu.memory_space<vmem_shared>> -> memref<16x128xf32, #tpu.memory_space<vmem_shared>>
        tpu.enqueue_dma source(%dma_start3A_44 : memref<16x128xf32, #tpu.memory_space<vmem_shared>>) target(%dma_start3A_41 : memref<16x128xf32, #tpu.memory_space<hbm>>) target_semaphore(%arg14 : memref<!tpu.dma_semaphore, #tpu.memory_space<semaphore_mem>>)
        %dma_wait3A_45 = arith.constant 9984 : i32
        %dma_wait3A_46 = arith.constant 0 : i32
        %dma_wait3A_47 = tpu.memref_slice %arg8[%dma_wait3A_45, %dma_wait3A_46] : memref<10000x128xf32, #tpu.memory_space<hbm>> -> memref<16x128xf32, #tpu.memory_space<hbm>>
        %dma_wait3A_48 = arith.constant 9984 : i32
        %dma_wait3A_49 = arith.constant 0 : i32
        %dma_wait3A_50 = tpu.memref_slice %arg9[%dma_wait3A_48, %dma_wait3A_49] : memref<10000x128xf32, #tpu.memory_space<vmem_shared>> -> memref<16x128xf32, #tpu.memory_space<vmem_shared>>
        tpu.wait_dma2 semaphore(%arg14 : memref<!tpu.dma_semaphore, #tpu.memory_space<semaphore_mem>>) src(%dma_wait3A_50 : memref<16x128xf32, #tpu.memory_space<vmem_shared>>) dst(%dma_wait3A_47 : memref<16x128xf32, #tpu.memory_space<hbm>>)
      } else {
      }
    } else {
    }
    return
  }
}

#map = affine_map<(d0, d1) -> (0, 0)>
#map1 = affine_map<(d0, d1) -> (0, 0, 0, 0)>
module attributes {stable_mosaic.version = 14 : i64} {
  func.func @_gather_body(%arg0: i32, %arg1: i32, %arg2: memref<10000x128xf32, #tpu.memory_space<hbm>>, %arg3: memref<32x5x25x80xi32, #tpu.memory_space<hbm>>, %arg4: memref<32x5x25x80xi32, #tpu.memory_space<hbm>>, %arg5: memref<320000x128xf32, #tpu.memory_space<hbm>>, %arg6: memref<320000x128xf32, #tpu.memory_space<hbm>>, %arg7: memref<25x80xi32, #tpu.memory_space<vmem>>, %arg8: memref<25x80xi32, #tpu.memory_space<vmem>>, %arg9: memref<2x80x128xf32, #tpu.memory_space<vmem>>, %arg10: memref<2x80x128xf32, #tpu.memory_space<vmem>>, %arg11: memref<!tpu.dma_semaphore, #tpu.memory_space<semaphore_mem>>, %arg12: memref<!tpu.dma_semaphore, #tpu.memory_space<semaphore_mem>>, %arg13: memref<!tpu.dma_semaphore, #tpu.memory_space<semaphore_mem>>, %arg14: memref<!tpu.dma_semaphore, #tpu.memory_space<semaphore_mem>>) attributes {dimension_semantics = [#tpu.dimension_semantics<core_parallel>, #tpu.dimension_semantics<subcore_parallel>], iteration_bounds = array<i64: 2, 16>, scalar_prefetch = 0 : i64, scratch_operands = 8 : i64, tpu.core_type = #tpu.core_type<sc_vector_subcore>, window_params = [{transform_indices = #map}, {transform_indices = #map1}, {transform_indices = #map1}, {transform_indices = #map}, {transform_indices = #map}]} {
    %mul3A = arith.constant 2 : i32
    %mul3A_0 = arith.muli %arg1, %mul3A : i32
    %add3A = arith.addi %mul3A_0, %arg0 : i32
    %mul3A_1 = arith.constant 10000 : i32
    %mul3A_2 = arith.muli %add3A, %mul3A_1 : i32
    %scan3A = arith.constant 0 : i32
    %scan3A_3 = arith.constant 5 : i32
    %scan3A_4 = arith.addi %scan3A, %scan3A_3 : i32
    %scan3A_5 = arith.constant 1 : i32
    scf.for %scan3A_12 = %scan3A to %scan3A_4 step %scan3A_5  : i32 {
      %mul3A_13 = arith.constant 1 : i32
      %mul3A_14 = arith.muli %scan3A_12, %mul3A_13 : i32
      %add3A_15 = arith.constant 0 : i32
      %add3A_16 = arith.addi %add3A_15, %mul3A_14 : i32
      "tpu.region"() ({
        %run_scoped3A = tpu.sem_alloc : memref<!tpu.dma_semaphore, #tpu.memory_space<semaphore_mem>>
        %dma_start3A = arith.constant 0 : i32
        %dma_start3A_22 = arith.constant 0 : i32
        %dma_start3A_23 = tpu.memref_slice %arg3[%add3A, %add3A_16, %dma_start3A, %dma_start3A_22] : memref<32x5x25x80xi32, #tpu.memory_space<hbm>> -> memref<1x1x25x80xi32, #tpu.memory_space<hbm>>
        %dma_start3A_24 = tpu.memref_squeeze %dma_start3A_23 : memref<1x1x25x80xi32, #tpu.memory_space<hbm>> -> memref<25x80xi32, #tpu.memory_space<hbm>>
        %dma_start3A_25 = arith.constant 0 : i32
        %dma_start3A_26 = arith.constant 0 : i32
        %dma_start3A_27 = tpu.memref_slice %arg3[%add3A, %add3A_16, %dma_start3A_25, %dma_start3A_26] : memref<32x5x25x80xi32, #tpu.memory_space<hbm>> -> memref<1x1x25x80xi32, #tpu.memory_space<hbm>>
        %dma_start3A_28 = tpu.memref_squeeze %dma_start3A_27 : memref<1x1x25x80xi32, #tpu.memory_space<hbm>> -> memref<25x80xi32, #tpu.memory_space<hbm>>
        tpu.enqueue_dma source(%dma_start3A_28 : memref<25x80xi32, #tpu.memory_space<hbm>>) target(%arg7 : memref<25x80xi32, #tpu.memory_space<vmem>>) target_semaphore(%run_scoped3A : memref<!tpu.dma_semaphore, #tpu.memory_space<semaphore_mem>>)
        %dma_wait3A = arith.constant 0 : i32
        %dma_wait3A_29 = arith.constant 0 : i32
        %dma_wait3A_30 = tpu.memref_slice %arg3[%add3A, %add3A_16, %dma_wait3A, %dma_wait3A_29] : memref<32x5x25x80xi32, #tpu.memory_space<hbm>> -> memref<1x1x25x80xi32, #tpu.memory_space<hbm>>
        %dma_wait3A_31 = tpu.memref_squeeze %dma_wait3A_30 : memref<1x1x25x80xi32, #tpu.memory_space<hbm>> -> memref<25x80xi32, #tpu.memory_space<hbm>>
        %dma_wait3A_32 = arith.constant 0 : i32
        %dma_wait3A_33 = arith.constant 0 : i32
        %dma_wait3A_34 = tpu.memref_slice %arg3[%add3A, %add3A_16, %dma_wait3A_32, %dma_wait3A_33] : memref<32x5x25x80xi32, #tpu.memory_space<hbm>> -> memref<1x1x25x80xi32, #tpu.memory_space<hbm>>
        %dma_wait3A_35 = tpu.memref_squeeze %dma_wait3A_34 : memref<1x1x25x80xi32, #tpu.memory_space<hbm>> -> memref<25x80xi32, #tpu.memory_space<hbm>>
        tpu.wait_dma2 semaphore(%run_scoped3A : memref<!tpu.dma_semaphore, #tpu.memory_space<semaphore_mem>>) src(%dma_wait3A_35 : memref<25x80xi32, #tpu.memory_space<hbm>>) dst(%arg7 : memref<25x80xi32, #tpu.memory_space<vmem>>)
        tpu.yield
      }) : () -> ()
      "tpu.region"() ({
        %run_scoped3A = tpu.sem_alloc : memref<!tpu.dma_semaphore, #tpu.memory_space<semaphore_mem>>
        %dma_start3A = arith.constant 0 : i32
        %dma_start3A_22 = arith.constant 0 : i32
        %dma_start3A_23 = tpu.memref_slice %arg4[%add3A, %add3A_16, %dma_start3A, %dma_start3A_22] : memref<32x5x25x80xi32, #tpu.memory_space<hbm>> -> memref<1x1x25x80xi32, #tpu.memory_space<hbm>>
        %dma_start3A_24 = tpu.memref_squeeze %dma_start3A_23 : memref<1x1x25x80xi32, #tpu.memory_space<hbm>> -> memref<25x80xi32, #tpu.memory_space<hbm>>
        %dma_start3A_25 = arith.constant 0 : i32
        %dma_start3A_26 = arith.constant 0 : i32
        %dma_start3A_27 = tpu.memref_slice %arg4[%add3A, %add3A_16, %dma_start3A_25, %dma_start3A_26] : memref<32x5x25x80xi32, #tpu.memory_space<hbm>> -> memref<1x1x25x80xi32, #tpu.memory_space<hbm>>
        %dma_start3A_28 = tpu.memref_squeeze %dma_start3A_27 : memref<1x1x25x80xi32, #tpu.memory_space<hbm>> -> memref<25x80xi32, #tpu.memory_space<hbm>>
        tpu.enqueue_dma source(%dma_start3A_28 : memref<25x80xi32, #tpu.memory_space<hbm>>) target(%arg8 : memref<25x80xi32, #tpu.memory_space<vmem>>) target_semaphore(%run_scoped3A : memref<!tpu.dma_semaphore, #tpu.memory_space<semaphore_mem>>)
        %dma_wait3A = arith.constant 0 : i32
        %dma_wait3A_29 = arith.constant 0 : i32
        %dma_wait3A_30 = tpu.memref_slice %arg4[%add3A, %add3A_16, %dma_wait3A, %dma_wait3A_29] : memref<32x5x25x80xi32, #tpu.memory_space<hbm>> -> memref<1x1x25x80xi32, #tpu.memory_space<hbm>>
        %dma_wait3A_31 = tpu.memref_squeeze %dma_wait3A_30 : memref<1x1x25x80xi32, #tpu.memory_space<hbm>> -> memref<25x80xi32, #tpu.memory_space<hbm>>
        %dma_wait3A_32 = arith.constant 0 : i32
        %dma_wait3A_33 = arith.constant 0 : i32
        %dma_wait3A_34 = tpu.memref_slice %arg4[%add3A, %add3A_16, %dma_wait3A_32, %dma_wait3A_33] : memref<32x5x25x80xi32, #tpu.memory_space<hbm>> -> memref<1x1x25x80xi32, #tpu.memory_space<hbm>>
        %dma_wait3A_35 = tpu.memref_squeeze %dma_wait3A_34 : memref<1x1x25x80xi32, #tpu.memory_space<hbm>> -> memref<25x80xi32, #tpu.memory_space<hbm>>
        tpu.wait_dma2 semaphore(%run_scoped3A : memref<!tpu.dma_semaphore, #tpu.memory_space<semaphore_mem>>) src(%dma_wait3A_35 : memref<25x80xi32, #tpu.memory_space<hbm>>) dst(%arg8 : memref<25x80xi32, #tpu.memory_space<vmem>>)
        tpu.yield
      }) : () -> ()
      %scan3A_17 = arith.constant 0 : i32
      %scan3A_18 = arith.constant 25 : i32
      %scan3A_19 = arith.addi %scan3A_17, %scan3A_18 : i32
      %scan3A_20 = arith.constant 1 : i32
      scf.for %scan3A_22 = %scan3A_17 to %scan3A_19 step %scan3A_20  : i32 {
        %mul3A_23 = arith.constant 1 : i32
        %mul3A_24 = arith.muli %scan3A_22, %mul3A_23 : i32
        %add3A_25 = arith.constant 0 : i32
        %add3A_26 = arith.addi %add3A_25, %mul3A_24 : i32
        %mul3A_27 = arith.constant 25 : i32
        %mul3A_28 = arith.muli %add3A_16, %mul3A_27 : i32
        %add3A_29 = arith.addi %mul3A_28, %add3A_26 : i32
        %mul3A_30 = arith.constant 80 : i32
        %mul3A_31 = arith.muli %add3A_29, %mul3A_30 : i32
        %rem3A = arith.constant 2 : i32
        %rem3A_32 = arith.remsi %add3A_26, %rem3A : i32
        %gt3A = arith.constant 0 : i32
        %gt3A_33 = arith.cmpi sgt, %add3A_16, %gt3A : i32
        %ge3A = arith.constant 2 : i32
        %ge3A_34 = arith.cmpi sge, %add3A_26, %ge3A : i32
        %or3A = arith.ori %gt3A_33, %ge3A_34 : i1
        %convert_element_type3A = arith.extui %or3A : i1 to i32
        %cond3A = arith.constant 0 : i32
        %cond3A_35 = arith.cmpi ne, %convert_element_type3A, %cond3A : i32
        scf.if %cond3A_35 {
          %dma_wait3A_100 = arith.constant 0 : i32
          %dma_wait3A_101 = arith.constant 0 : i32
          %dma_wait3A_102 = tpu.memref_slice %arg9[%rem3A_32, %dma_wait3A_100, %dma_wait3A_101] : memref<2x80x128xf32, #tpu.memory_space<vmem>> -> memref<1x80x128xf32, #tpu.memory_space<vmem>>
          %dma_wait3A_103 = tpu.memref_squeeze %dma_wait3A_102 : memref<1x80x128xf32, #tpu.memory_space<vmem>> -> memref<80x128xf32, #tpu.memory_space<vmem>>
          %dma_wait3A_104 = arith.constant 0 : i32
          %dma_wait3A_105 = tpu.memref_slice %arg5[%mul3A_2, %dma_wait3A_104] : memref<320000x128xf32, #tpu.memory_space<hbm>> -> memref<80x128xf32, #tpu.memory_space<hbm>>
          %dma_wait3A_106 = arith.constant 0 : i32
          %dma_wait3A_107 = tpu.memref_slice %arg5[%mul3A_2, %dma_wait3A_106] : memref<320000x128xf32, #tpu.memory_space<hbm>> -> memref<80x128xf32, #tpu.memory_space<hbm>>
          %dma_wait3A_108 = arith.constant 0 : i32
          %dma_wait3A_109 = arith.constant 0 : i32
          %dma_wait3A_110 = tpu.memref_slice %arg9[%rem3A_32, %dma_wait3A_108, %dma_wait3A_109] : memref<2x80x128xf32, #tpu.memory_space<vmem>> -> memref<1x80x128xf32, #tpu.memory_space<vmem>>
          %dma_wait3A_111 = tpu.memref_squeeze %dma_wait3A_110 : memref<1x80x128xf32, #tpu.memory_space<vmem>> -> memref<80x128xf32, #tpu.memory_space<vmem>>
          tpu.wait_dma2 semaphore(%arg13 : memref<!tpu.dma_semaphore, #tpu.memory_space<semaphore_mem>>) src(%dma_wait3A_111 : memref<80x128xf32, #tpu.memory_space<vmem>>) dst(%dma_wait3A_107 : memref<80x128xf32, #tpu.memory_space<hbm>>)
          %dma_wait3A_112 = arith.constant 0 : i32
          %dma_wait3A_113 = arith.constant 0 : i32
          %dma_wait3A_114 = tpu.memref_slice %arg10[%rem3A_32, %dma_wait3A_112, %dma_wait3A_113] : memref<2x80x128xf32, #tpu.memory_space<vmem>> -> memref<1x80x128xf32, #tpu.memory_space<vmem>>
          %dma_wait3A_115 = tpu.memref_squeeze %dma_wait3A_114 : memref<1x80x128xf32, #tpu.memory_space<vmem>> -> memref<80x128xf32, #tpu.memory_space<vmem>>
          %dma_wait3A_116 = arith.constant 0 : i32
          %dma_wait3A_117 = tpu.memref_slice %arg6[%mul3A_2, %dma_wait3A_116] : memref<320000x128xf32, #tpu.memory_space<hbm>> -> memref<80x128xf32, #tpu.memory_space<hbm>>
          %dma_wait3A_118 = arith.constant 0 : i32
          %dma_wait3A_119 = tpu.memref_slice %arg6[%mul3A_2, %dma_wait3A_118] : memref<320000x128xf32, #tpu.memory_space<hbm>> -> memref<80x128xf32, #tpu.memory_space<hbm>>
          %dma_wait3A_120 = arith.constant 0 : i32
          %dma_wait3A_121 = arith.constant 0 : i32
          %dma_wait3A_122 = tpu.memref_slice %arg10[%rem3A_32, %dma_wait3A_120, %dma_wait3A_121] : memref<2x80x128xf32, #tpu.memory_space<vmem>> -> memref<1x80x128xf32, #tpu.memory_space<vmem>>
          %dma_wait3A_123 = tpu.memref_squeeze %dma_wait3A_122 : memref<1x80x128xf32, #tpu.memory_space<vmem>> -> memref<80x128xf32, #tpu.memory_space<vmem>>
          tpu.wait_dma2 semaphore(%arg14 : memref<!tpu.dma_semaphore, #tpu.memory_space<semaphore_mem>>) src(%dma_wait3A_123 : memref<80x128xf32, #tpu.memory_space<vmem>>) dst(%dma_wait3A_119 : memref<80x128xf32, #tpu.memory_space<hbm>>)
        } else {
        }
        %dma_start3A = arith.constant 0 : i32
        %dma_start3A_36 = arith.constant 0 : i32
        %dma_start3A_37 = tpu.memref_slice %arg9[%rem3A_32, %dma_start3A, %dma_start3A_36] : memref<2x80x128xf32, #tpu.memory_space<vmem>> -> memref<1x80x128xf32, #tpu.memory_space<vmem>>
        %dma_start3A_38 = tpu.memref_squeeze %dma_start3A_37 : memref<1x80x128xf32, #tpu.memory_space<vmem>> -> memref<80x128xf32, #tpu.memory_space<vmem>>
        %dma_start3A_39 = arith.constant 0 : i32
        %dma_start3A_40 = tpu.memref_slice %arg7[%add3A_26, %dma_start3A_39] : memref<25x80xi32, #tpu.memory_space<vmem>> -> memref<1x80xi32, #tpu.memory_space<vmem>>
        %dma_start3A_41 = tpu.memref_squeeze %dma_start3A_40 : memref<1x80xi32, #tpu.memory_space<vmem>> -> memref<80xi32, #tpu.memory_space<vmem>>
        %dma_start3A_42 = arith.constant 0 : i32
        %dma_start3A_43 = arith.constant 0 : i32
        %dma_start3A_44 = tpu.memref_slice %arg2[%dma_start3A_42, %dma_start3A_43] : memref<10000x128xf32, #tpu.memory_space<hbm>> -> memref<10000x128xf32, #tpu.memory_space<hbm>>
        tpu.enqueue_indirect_dma source(%dma_start3A_44 : memref<10000x128xf32, #tpu.memory_space<hbm>>) target(%dma_start3A_38 : memref<80x128xf32, #tpu.memory_space<vmem>>) offsets(%dma_start3A_41 : memref<80xi32, #tpu.memory_space<vmem>>) semaphore(%arg11 : memref<!tpu.dma_semaphore, #tpu.memory_space<semaphore_mem>>)
        %dma_start3A_45 = arith.constant 0 : i32
        %dma_start3A_46 = arith.constant 0 : i32
        %dma_start3A_47 = tpu.memref_slice %arg10[%rem3A_32, %dma_start3A_45, %dma_start3A_46] : memref<2x80x128xf32, #tpu.memory_space<vmem>> -> memref<1x80x128xf32, #tpu.memory_space<vmem>>
        %dma_start3A_48 = tpu.memref_squeeze %dma_start3A_47 : memref<1x80x128xf32, #tpu.memory_space<vmem>> -> memref<80x128xf32, #tpu.memory_space<vmem>>
        %dma_start3A_49 = arith.constant 0 : i32
        %dma_start3A_50 = tpu.memref_slice %arg8[%add3A_26, %dma_start3A_49] : memref<25x80xi32, #tpu.memory_space<vmem>> -> memref<1x80xi32, #tpu.memory_space<vmem>>
        %dma_start3A_51 = tpu.memref_squeeze %dma_start3A_50 : memref<1x80xi32, #tpu.memory_space<vmem>> -> memref<80xi32, #tpu.memory_space<vmem>>
        %dma_start3A_52 = arith.constant 0 : i32
        %dma_start3A_53 = arith.constant 0 : i32
        %dma_start3A_54 = tpu.memref_slice %arg2[%dma_start3A_52, %dma_start3A_53] : memref<10000x128xf32, #tpu.memory_space<hbm>> -> memref<10000x128xf32, #tpu.memory_space<hbm>>
        tpu.enqueue_indirect_dma source(%dma_start3A_54 : memref<10000x128xf32, #tpu.memory_space<hbm>>) target(%dma_start3A_48 : memref<80x128xf32, #tpu.memory_space<vmem>>) offsets(%dma_start3A_51 : memref<80xi32, #tpu.memory_space<vmem>>) semaphore(%arg12 : memref<!tpu.dma_semaphore, #tpu.memory_space<semaphore_mem>>)
        %dma_wait3A = arith.constant 0 : i32
        %dma_wait3A_55 = arith.constant 0 : i32
        %dma_wait3A_56 = tpu.memref_slice %arg9[%rem3A_32, %dma_wait3A, %dma_wait3A_55] : memref<2x80x128xf32, #tpu.memory_space<vmem>> -> memref<1x80x128xf32, #tpu.memory_space<vmem>>
        %dma_wait3A_57 = tpu.memref_squeeze %dma_wait3A_56 : memref<1x80x128xf32, #tpu.memory_space<vmem>> -> memref<80x128xf32, #tpu.memory_space<vmem>>
        %dma_wait3A_58 = arith.constant 0 : i32
        %dma_wait3A_59 = tpu.memref_slice %arg7[%add3A_26, %dma_wait3A_58] : memref<25x80xi32, #tpu.memory_space<vmem>> -> memref<1x80xi32, #tpu.memory_space<vmem>>
        %dma_wait3A_60 = tpu.memref_squeeze %dma_wait3A_59 : memref<1x80xi32, #tpu.memory_space<vmem>> -> memref<80xi32, #tpu.memory_space<vmem>>
        %dma_wait3A_61 = arith.constant 0 : i32
        %dma_wait3A_62 = arith.constant 0 : i32
        %dma_wait3A_63 = tpu.memref_slice %arg2[%dma_wait3A_61, %dma_wait3A_62] : memref<10000x128xf32, #tpu.memory_space<hbm>> -> memref<10000x128xf32, #tpu.memory_space<hbm>>
        tpu.wait_indirect_dma semaphore(%arg11 : memref<!tpu.dma_semaphore, #tpu.memory_space<semaphore_mem>>) src(%dma_wait3A_63 : memref<10000x128xf32, #tpu.memory_space<hbm>>) dst(%dma_wait3A_57 : memref<80x128xf32, #tpu.memory_space<vmem>>)
        %dma_wait3A_64 = arith.constant 0 : i32
        %dma_wait3A_65 = arith.constant 0 : i32
        %dma_wait3A_66 = tpu.memref_slice %arg10[%rem3A_32, %dma_wait3A_64, %dma_wait3A_65] : memref<2x80x128xf32, #tpu.memory_space<vmem>> -> memref<1x80x128xf32, #tpu.memory_space<vmem>>
        %dma_wait3A_67 = tpu.memref_squeeze %dma_wait3A_66 : memref<1x80x128xf32, #tpu.memory_space<vmem>> -> memref<80x128xf32, #tpu.memory_space<vmem>>
        %dma_wait3A_68 = arith.constant 0 : i32
        %dma_wait3A_69 = tpu.memref_slice %arg8[%add3A_26, %dma_wait3A_68] : memref<25x80xi32, #tpu.memory_space<vmem>> -> memref<1x80xi32, #tpu.memory_space<vmem>>
        %dma_wait3A_70 = tpu.memref_squeeze %dma_wait3A_69 : memref<1x80xi32, #tpu.memory_space<vmem>> -> memref<80xi32, #tpu.memory_space<vmem>>
        %dma_wait3A_71 = arith.constant 0 : i32
        %dma_wait3A_72 = arith.constant 0 : i32
        %dma_wait3A_73 = tpu.memref_slice %arg2[%dma_wait3A_71, %dma_wait3A_72] : memref<10000x128xf32, #tpu.memory_space<hbm>> -> memref<10000x128xf32, #tpu.memory_space<hbm>>
        tpu.wait_indirect_dma semaphore(%arg12 : memref<!tpu.dma_semaphore, #tpu.memory_space<semaphore_mem>>) src(%dma_wait3A_73 : memref<10000x128xf32, #tpu.memory_space<hbm>>) dst(%dma_wait3A_67 : memref<80x128xf32, #tpu.memory_space<vmem>>)
        %add3A_74 = arith.addi %mul3A_2, %mul3A_31 : i32
        %dma_start3A_75 = arith.constant 0 : i32
        %dma_start3A_76 = arith.constant 0 : i32
        %dma_start3A_77 = tpu.memref_slice %arg9[%rem3A_32, %dma_start3A_75, %dma_start3A_76] : memref<2x80x128xf32, #tpu.memory_space<vmem>> -> memref<1x80x128xf32, #tpu.memory_space<vmem>>
        %dma_start3A_78 = tpu.memref_squeeze %dma_start3A_77 : memref<1x80x128xf32, #tpu.memory_space<vmem>> -> memref<80x128xf32, #tpu.memory_space<vmem>>
        %dma_start3A_79 = arith.constant 0 : i32
        %dma_start3A_80 = tpu.memref_slice %arg5[%add3A_74, %dma_start3A_79] : memref<320000x128xf32, #tpu.memory_space<hbm>> -> memref<80x128xf32, #tpu.memory_space<hbm>>
        %dma_start3A_81 = arith.constant 0 : i32
        %dma_start3A_82 = tpu.memref_slice %arg5[%add3A_74, %dma_start3A_81] : memref<320000x128xf32, #tpu.memory_space<hbm>> -> memref<80x128xf32, #tpu.memory_space<hbm>>
        %dma_start3A_83 = arith.constant 0 : i32
        %dma_start3A_84 = arith.constant 0 : i32
        %dma_start3A_85 = tpu.memref_slice %arg9[%rem3A_32, %dma_start3A_83, %dma_start3A_84] : memref<2x80x128xf32, #tpu.memory_space<vmem>> -> memref<1x80x128xf32, #tpu.memory_space<vmem>>
        %dma_start3A_86 = tpu.memref_squeeze %dma_start3A_85 : memref<1x80x128xf32, #tpu.memory_space<vmem>> -> memref<80x128xf32, #tpu.memory_space<vmem>>
        tpu.enqueue_dma source(%dma_start3A_86 : memref<80x128xf32, #tpu.memory_space<vmem>>) target(%dma_start3A_82 : memref<80x128xf32, #tpu.memory_space<hbm>>) target_semaphore(%arg13 : memref<!tpu.dma_semaphore, #tpu.memory_space<semaphore_mem>>)
        %add3A_87 = arith.addi %mul3A_2, %mul3A_31 : i32
        %dma_start3A_88 = arith.constant 0 : i32
        %dma_start3A_89 = arith.constant 0 : i32
        %dma_start3A_90 = tpu.memref_slice %arg10[%rem3A_32, %dma_start3A_88, %dma_start3A_89] : memref<2x80x128xf32, #tpu.memory_space<vmem>> -> memref<1x80x128xf32, #tpu.memory_space<vmem>>
        %dma_start3A_91 = tpu.memref_squeeze %dma_start3A_90 : memref<1x80x128xf32, #tpu.memory_space<vmem>> -> memref<80x128xf32, #tpu.memory_space<vmem>>
        %dma_start3A_92 = arith.constant 0 : i32
        %dma_start3A_93 = tpu.memref_slice %arg6[%add3A_87, %dma_start3A_92] : memref<320000x128xf32, #tpu.memory_space<hbm>> -> memref<80x128xf32, #tpu.memory_space<hbm>>
        %dma_start3A_94 = arith.constant 0 : i32
        %dma_start3A_95 = tpu.memref_slice %arg6[%add3A_87, %dma_start3A_94] : memref<320000x128xf32, #tpu.memory_space<hbm>> -> memref<80x128xf32, #tpu.memory_space<hbm>>
        %dma_start3A_96 = arith.constant 0 : i32
        %dma_start3A_97 = arith.constant 0 : i32
        %dma_start3A_98 = tpu.memref_slice %arg10[%rem3A_32, %dma_start3A_96, %dma_start3A_97] : memref<2x80x128xf32, #tpu.memory_space<vmem>> -> memref<1x80x128xf32, #tpu.memory_space<vmem>>
        %dma_start3A_99 = tpu.memref_squeeze %dma_start3A_98 : memref<1x80x128xf32, #tpu.memory_space<vmem>> -> memref<80x128xf32, #tpu.memory_space<vmem>>
        tpu.enqueue_dma source(%dma_start3A_99 : memref<80x128xf32, #tpu.memory_space<vmem>>) target(%dma_start3A_95 : memref<80x128xf32, #tpu.memory_space<hbm>>) target_semaphore(%arg14 : memref<!tpu.dma_semaphore, #tpu.memory_space<semaphore_mem>>)
      }
      %scan3A_21 = arith.constant 25 : i32
    }
    %scan3A_6 = arith.constant 5 : i32
    %scan3A_7 = arith.constant 0 : i32
    %scan3A_8 = arith.constant 2 : i32
    %scan3A_9 = arith.addi %scan3A_7, %scan3A_8 : i32
    %scan3A_10 = arith.constant 1 : i32
    scf.for %scan3A_12 = %scan3A_7 to %scan3A_9 step %scan3A_10  : i32 {
      %mul3A_13 = arith.constant 1 : i32
      %mul3A_14 = arith.muli %scan3A_12, %mul3A_13 : i32
      %add3A_15 = arith.constant 0 : i32
      %add3A_16 = arith.addi %add3A_15, %mul3A_14 : i32
      %dma_wait3A = arith.constant 0 : i32
      %dma_wait3A_17 = arith.constant 0 : i32
      %dma_wait3A_18 = tpu.memref_slice %arg9[%add3A_16, %dma_wait3A, %dma_wait3A_17] : memref<2x80x128xf32, #tpu.memory_space<vmem>> -> memref<1x80x128xf32, #tpu.memory_space<vmem>>
      %dma_wait3A_19 = tpu.memref_squeeze %dma_wait3A_18 : memref<1x80x128xf32, #tpu.memory_space<vmem>> -> memref<80x128xf32, #tpu.memory_space<vmem>>
      %dma_wait3A_20 = arith.constant 0 : i32
      %dma_wait3A_21 = tpu.memref_slice %arg5[%mul3A_2, %dma_wait3A_20] : memref<320000x128xf32, #tpu.memory_space<hbm>> -> memref<80x128xf32, #tpu.memory_space<hbm>>
      %dma_wait3A_22 = arith.constant 0 : i32
      %dma_wait3A_23 = tpu.memref_slice %arg5[%mul3A_2, %dma_wait3A_22] : memref<320000x128xf32, #tpu.memory_space<hbm>> -> memref<80x128xf32, #tpu.memory_space<hbm>>
      %dma_wait3A_24 = arith.constant 0 : i32
      %dma_wait3A_25 = arith.constant 0 : i32
      %dma_wait3A_26 = tpu.memref_slice %arg9[%add3A_16, %dma_wait3A_24, %dma_wait3A_25] : memref<2x80x128xf32, #tpu.memory_space<vmem>> -> memref<1x80x128xf32, #tpu.memory_space<vmem>>
      %dma_wait3A_27 = tpu.memref_squeeze %dma_wait3A_26 : memref<1x80x128xf32, #tpu.memory_space<vmem>> -> memref<80x128xf32, #tpu.memory_space<vmem>>
      tpu.wait_dma2 semaphore(%arg13 : memref<!tpu.dma_semaphore, #tpu.memory_space<semaphore_mem>>) src(%dma_wait3A_27 : memref<80x128xf32, #tpu.memory_space<vmem>>) dst(%dma_wait3A_23 : memref<80x128xf32, #tpu.memory_space<hbm>>)
      %dma_wait3A_28 = arith.constant 0 : i32
      %dma_wait3A_29 = arith.constant 0 : i32
      %dma_wait3A_30 = tpu.memref_slice %arg10[%add3A_16, %dma_wait3A_28, %dma_wait3A_29] : memref<2x80x128xf32, #tpu.memory_space<vmem>> -> memref<1x80x128xf32, #tpu.memory_space<vmem>>
      %dma_wait3A_31 = tpu.memref_squeeze %dma_wait3A_30 : memref<1x80x128xf32, #tpu.memory_space<vmem>> -> memref<80x128xf32, #tpu.memory_space<vmem>>
      %dma_wait3A_32 = arith.constant 0 : i32
      %dma_wait3A_33 = tpu.memref_slice %arg6[%mul3A_2, %dma_wait3A_32] : memref<320000x128xf32, #tpu.memory_space<hbm>> -> memref<80x128xf32, #tpu.memory_space<hbm>>
      %dma_wait3A_34 = arith.constant 0 : i32
      %dma_wait3A_35 = tpu.memref_slice %arg6[%mul3A_2, %dma_wait3A_34] : memref<320000x128xf32, #tpu.memory_space<hbm>> -> memref<80x128xf32, #tpu.memory_space<hbm>>
      %dma_wait3A_36 = arith.constant 0 : i32
      %dma_wait3A_37 = arith.constant 0 : i32
      %dma_wait3A_38 = tpu.memref_slice %arg10[%add3A_16, %dma_wait3A_36, %dma_wait3A_37] : memref<2x80x128xf32, #tpu.memory_space<vmem>> -> memref<1x80x128xf32, #tpu.memory_space<vmem>>
      %dma_wait3A_39 = tpu.memref_squeeze %dma_wait3A_38 : memref<1x80x128xf32, #tpu.memory_space<vmem>> -> memref<80x128xf32, #tpu.memory_space<vmem>>
      tpu.wait_dma2 semaphore(%arg14 : memref<!tpu.dma_semaphore, #tpu.memory_space<semaphore_mem>>) src(%dma_wait3A_39 : memref<80x128xf32, #tpu.memory_space<vmem>>) dst(%dma_wait3A_35 : memref<80x128xf32, #tpu.memory_space<hbm>>)
    }
    %scan3A_11 = arith.constant 2 : i32
    return
  }
}

module attributes {stable_mosaic.version = 14 : i64} {
  func.func @_mlp_body(%arg0: i32, %arg1: memref<512x128xf32, #tpu.memory_space<vmem>>, %arg2: memref<512x128xf32, #tpu.memory_space<vmem>>, %arg3: memref<1x512xf32, #tpu.memory_space<vmem>>, %arg4: memref<512x16xf32, #tpu.memory_space<vmem>>, %arg5: memref<16x1xf32, #tpu.memory_space<vmem>>, %arg6: memref<16x1xf32, #tpu.memory_space<vmem>>, %arg7: memref<128x128xf32, #tpu.memory_space<vmem>>, %arg8: memref<128x128xf32, #tpu.memory_space<vmem>>, %arg9: memref<16x128xf32, #tpu.memory_space<vmem>>, %arg10: memref<1x128xf32, #tpu.memory_space<vmem>>, %arg11: memref<128x128xf32, #tpu.memory_space<vmem>>, %arg12: memref<1x128xf32, #tpu.memory_space<vmem>>, %arg13: memref<128x128xf32, #tpu.memory_space<vmem>>, %arg14: memref<128x128xf32, #tpu.memory_space<vmem>>, %arg15: memref<16x128xf32, #tpu.memory_space<vmem>>, %arg16: memref<1x128xf32, #tpu.memory_space<vmem>>, %arg17: memref<1x128xf32, #tpu.memory_space<vmem>>, %arg18: memref<512x128xf32, #tpu.memory_space<vmem>>, %arg19: memref<512x16xf32, #tpu.memory_space<vmem>>) attributes {dimension_semantics = [#tpu.dimension_semantics<arbitrary>], iteration_bounds = array<i64: 625>, scalar_prefetch = 0 : i64, scratch_operands = 0 : i64, tpu.core_type = #tpu.core_type<tc>, window_params = [{transform_indices = @transform_0, window_bounds = array<i64: 512, 128>}, {transform_indices = @transform_1, window_bounds = array<i64: 512, 128>}, {transform_indices = @transform_2, window_bounds = array<i64: 1, 512>}, {transform_indices = @transform_3, window_bounds = array<i64: 512, 16>}, {pipeline_mode = #tpu.pipeline_mode<synchronous>, transform_indices = @transform_4, window_bounds = array<i64: 16, 1>}, {pipeline_mode = #tpu.pipeline_mode<synchronous>, transform_indices = @transform_5, window_bounds = array<i64: 16, 1>}, {pipeline_mode = #tpu.pipeline_mode<synchronous>, transform_indices = @transform_6, window_bounds = array<i64: 128, 128>}, {pipeline_mode = #tpu.pipeline_mode<synchronous>, transform_indices = @transform_7, window_bounds = array<i64: 128, 128>}, {pipeline_mode = #tpu.pipeline_mode<synchronous>, transform_indices = @transform_8, window_bounds = array<i64: 16, 128>}, {pipeline_mode = #tpu.pipeline_mode<synchronous>, transform_indices = @transform_9, window_bounds = array<i64: 1, 128>}, {pipeline_mode = #tpu.pipeline_mode<synchronous>, transform_indices = @transform_10, window_bounds = array<i64: 128, 128>}, {pipeline_mode = #tpu.pipeline_mode<synchronous>, transform_indices = @transform_11, window_bounds = array<i64: 1, 128>}, {pipeline_mode = #tpu.pipeline_mode<synchronous>, transform_indices = @transform_12, window_bounds = array<i64: 128, 128>}, {pipeline_mode = #tpu.pipeline_mode<synchronous>, transform_indices = @transform_13, window_bounds = array<i64: 128, 128>}, {pipeline_mode = #tpu.pipeline_mode<synchronous>, transform_indices = @transform_14, window_bounds = array<i64: 16, 128>}, {pipeline_mode = #tpu.pipeline_mode<synchronous>, transform_indices = @transform_15, window_bounds = array<i64: 1, 128>}, {pipeline_mode = #tpu.pipeline_mode<synchronous>, transform_indices = @transform_16, window_bounds = array<i64: 1, 128>}, {transform_indices = @transform_17, window_bounds = array<i64: 512, 128>}, {transform_indices = @transform_18, window_bounds = array<i64: 512, 16>}]} {
    %get3A = arith.constant 0 : index
    %get3A_0 = arith.constant 0 : index
    %get3A_1 = vector.load %arg1[%get3A, %get3A_0] : memref<512x128xf32, #tpu.memory_space<vmem>>, vector<512x128xf32>
    %convert_element_type3A = arith.truncf %get3A_1 : vector<512x128xf32> to vector<512x128xbf16>
    %get3A_2 = arith.constant 0 : index
    %get3A_3 = arith.constant 0 : index
    %get3A_4 = vector.load %arg2[%get3A_2, %get3A_3] : memref<512x128xf32, #tpu.memory_space<vmem>>, vector<512x128xf32>
    %convert_element_type3A_5 = arith.truncf %get3A_4 : vector<512x128xf32> to vector<512x128xbf16>
    %get3A_6 = arith.constant 0 : index
    %get3A_7 = arith.constant 0 : index
    %get3A_8 = vector.load %arg5[%get3A_6, %get3A_7] : memref<16x1xf32, #tpu.memory_space<vmem>>, vector<16x1xf32>
    %get3A_9 = arith.constant 0 : index
    %get3A_10 = arith.constant 0 : index
    %get3A_11 = vector.load %arg3[%get3A_9, %get3A_10] : memref<1x512xf32, #tpu.memory_space<vmem>>, vector<1x512xf32>
    %mul3A = vector.broadcast %get3A_8 : vector<16x1xf32> to vector<16x512xf32>
    %mul3A_12 = vector.broadcast %get3A_11 : vector<1x512xf32> to vector<16x512xf32>
    %mul3A_13 = arith.mulf %mul3A, %mul3A_12 : vector<16x512xf32>
    %get3A_14 = arith.constant 0 : index
    %get3A_15 = arith.constant 0 : index
    %get3A_16 = vector.load %arg6[%get3A_14, %get3A_15] : memref<16x1xf32, #tpu.memory_space<vmem>>, vector<16x1xf32>
    %add3A = vector.broadcast %get3A_16 : vector<16x1xf32> to vector<16x512xf32>
    %add3A_17 = arith.addf %mul3A_13, %add3A : vector<16x512xf32>
    %logistic3A = arith.negf %add3A_17 : vector<16x512xf32>
    %logistic3A_18 = math.exp %logistic3A : vector<16x512xf32>
    %logistic3A_19 = arith.constant 1.000000e+00 : f32
    %logistic3A_20 = vector.broadcast %logistic3A_19 : f32 to vector<16x512xf32>
    %logistic3A_21 = arith.addf %logistic3A_20, %logistic3A_18 : vector<16x512xf32>
    %logistic3A_22 = arith.divf %logistic3A_20, %logistic3A_21 : vector<16x512xf32>
    %mul3A_23 = arith.mulf %add3A_17, %logistic3A_22 : vector<16x512xf32>
    %get3A_24 = arith.constant 0 : index
    %get3A_25 = arith.constant 0 : index
    %get3A_26 = vector.load %arg7[%get3A_24, %get3A_25] : memref<128x128xf32, #tpu.memory_space<vmem>>, vector<128x128xf32>
    %convert_element_type3A_27 = arith.truncf %get3A_26 : vector<128x128xf32> to vector<128x128xbf16>
    %dot_general3A = arith.constant dense<0.000000e+00> : vector<512x128xf32>
    %dot_general3A_28 = tpu.matmul %convert_element_type3A, %convert_element_type3A_27, %dot_general3A {dimension_numbers = #tpu.dot_dimension_numbers<[1], [0], [0], [1], [0, 0, 1, 1], [], []>, transpose_lhs_hint = false} : vector<512x128xbf16>, vector<128x128xbf16>, vector<512x128xf32> -> vector<512x128xf32>
    %get3A_29 = arith.constant 0 : index
    %get3A_30 = arith.constant 0 : index
    %get3A_31 = vector.load %arg8[%get3A_29, %get3A_30] : memref<128x128xf32, #tpu.memory_space<vmem>>, vector<128x128xf32>
    %convert_element_type3A_32 = arith.truncf %get3A_31 : vector<128x128xf32> to vector<128x128xbf16>
    %dot_general3A_33 = arith.constant dense<0.000000e+00> : vector<512x128xf32>
    %dot_general3A_34 = tpu.matmul %convert_element_type3A_5, %convert_element_type3A_32, %dot_general3A_33 {dimension_numbers = #tpu.dot_dimension_numbers<[1], [0], [0], [1], [0, 0, 1, 1], [], []>, transpose_lhs_hint = false} : vector<512x128xbf16>, vector<128x128xbf16>, vector<512x128xf32> -> vector<512x128xf32>
    %add3A_35 = arith.addf %dot_general3A_28, %dot_general3A_34 : vector<512x128xf32>
    %get3A_36 = arith.constant 0 : index
    %get3A_37 = arith.constant 0 : index
    %get3A_38 = vector.load %arg9[%get3A_36, %get3A_37] : memref<16x128xf32, #tpu.memory_space<vmem>>, vector<16x128xf32>
    %dot_general3A_39 = arith.constant dense<0.000000e+00> : vector<512x128xf32>
    %dot_general3A_40 = tpu.matmul %mul3A_23, %get3A_38, %dot_general3A_39 {dimension_numbers = #tpu.dot_dimension_numbers<[0], [0], [1], [1], [0, 1, 1, 1], [], []>, transpose_lhs_hint = false} : vector<16x512xf32>, vector<16x128xf32>, vector<512x128xf32> -> vector<512x128xf32>
    %add3A_41 = arith.addf %add3A_35, %dot_general3A_40 : vector<512x128xf32>
    %get3A_42 = arith.constant 0 : index
    %get3A_43 = arith.constant 0 : index
    %get3A_44 = vector.load %arg10[%get3A_42, %get3A_43] : memref<1x128xf32, #tpu.memory_space<vmem>>, vector<1x128xf32>
    %add3A_45 = vector.broadcast %get3A_44 : vector<1x128xf32> to vector<512x128xf32>
    %add3A_46 = arith.addf %add3A_41, %add3A_45 : vector<512x128xf32>
    %logistic3A_47 = arith.negf %add3A_46 : vector<512x128xf32>
    %logistic3A_48 = math.exp %logistic3A_47 : vector<512x128xf32>
    %logistic3A_49 = arith.constant 1.000000e+00 : f32
    %logistic3A_50 = vector.broadcast %logistic3A_49 : f32 to vector<512x128xf32>
    %logistic3A_51 = arith.addf %logistic3A_50, %logistic3A_48 : vector<512x128xf32>
    %logistic3A_52 = arith.divf %logistic3A_50, %logistic3A_51 : vector<512x128xf32>
    %mul3A_53 = arith.mulf %add3A_46, %logistic3A_52 : vector<512x128xf32>
    %convert_element_type3A_54 = arith.truncf %mul3A_53 : vector<512x128xf32> to vector<512x128xbf16>
    %get3A_55 = arith.constant 0 : index
    %get3A_56 = arith.constant 0 : index
    %get3A_57 = vector.load %arg11[%get3A_55, %get3A_56] : memref<128x128xf32, #tpu.memory_space<vmem>>, vector<128x128xf32>
    %convert_element_type3A_58 = arith.truncf %get3A_57 : vector<128x128xf32> to vector<128x128xbf16>
    %dot_general3A_59 = arith.constant dense<0.000000e+00> : vector<512x128xf32>
    %dot_general3A_60 = tpu.matmul %convert_element_type3A_54, %convert_element_type3A_58, %dot_general3A_59 {dimension_numbers = #tpu.dot_dimension_numbers<[1], [0], [0], [1], [0, 0, 1, 1], [], []>, transpose_lhs_hint = false} : vector<512x128xbf16>, vector<128x128xbf16>, vector<512x128xf32> -> vector<512x128xf32>
    %get3A_61 = arith.constant 0 : index
    %get3A_62 = arith.constant 0 : index
    %get3A_63 = vector.load %arg12[%get3A_61, %get3A_62] : memref<1x128xf32, #tpu.memory_space<vmem>>, vector<1x128xf32>
    %add3A_64 = vector.broadcast %get3A_63 : vector<1x128xf32> to vector<512x128xf32>
    %add3A_65 = arith.addf %dot_general3A_60, %add3A_64 : vector<512x128xf32>
    %swap3A = arith.constant 0 : index
    %swap3A_66 = arith.constant 0 : index
    %swap3A_67 = vector.load %arg18[%swap3A, %swap3A_66] : memref<512x128xf32, #tpu.memory_space<vmem>>, vector<512x128xf32>
    tpu.vector_store %arg18[%swap3A, %swap3A_66], %add3A_65 {strides = array<i32>} : memref<512x128xf32, #tpu.memory_space<vmem>>, vector<512x128xf32>,
    %get3A_68 = arith.constant 0 : index
    %get3A_69 = arith.constant 0 : index
    %get3A_70 = vector.load %arg13[%get3A_68, %get3A_69] : memref<128x128xf32, #tpu.memory_space<vmem>>, vector<128x128xf32>
    %convert_element_type3A_71 = arith.truncf %get3A_70 : vector<128x128xf32> to vector<128x128xbf16>
    %dot_general3A_72 = arith.constant dense<0.000000e+00> : vector<512x128xf32>
    %dot_general3A_73 = tpu.matmul %convert_element_type3A, %convert_element_type3A_71, %dot_general3A_72 {dimension_numbers = #tpu.dot_dimension_numbers<[1], [0], [0], [1], [0, 0, 1, 1], [], []>, transpose_lhs_hint = false} : vector<512x128xbf16>, vector<128x128xbf16>, vector<512x128xf32> -> vector<512x128xf32>
    %get3A_74 = arith.constant 0 : index
    %get3A_75 = arith.constant 0 : index
    %get3A_76 = vector.load %arg14[%get3A_74, %get3A_75] : memref<128x128xf32, #tpu.memory_space<vmem>>, vector<128x128xf32>
    %convert_element_type3A_77 = arith.truncf %get3A_76 : vector<128x128xf32> to vector<128x128xbf16>
    %dot_general3A_78 = arith.constant dense<0.000000e+00> : vector<512x128xf32>
    %dot_general3A_79 = tpu.matmul %convert_element_type3A_5, %convert_element_type3A_77, %dot_general3A_78 {dimension_numbers = #tpu.dot_dimension_numbers<[1], [0], [0], [1], [0, 0, 1, 1], [], []>, transpose_lhs_hint = false} : vector<512x128xbf16>, vector<128x128xbf16>, vector<512x128xf32> -> vector<512x128xf32>
    %add3A_80 = arith.addf %dot_general3A_73, %dot_general3A_79 : vector<512x128xf32>
    %get3A_81 = arith.constant 0 : index
    %get3A_82 = arith.constant 0 : index
    %get3A_83 = vector.load %arg15[%get3A_81, %get3A_82] : memref<16x128xf32, #tpu.memory_space<vmem>>, vector<16x128xf32>
    %dot_general3A_84 = arith.constant dense<0.000000e+00> : vector<512x128xf32>
    %dot_general3A_85 = tpu.matmul %mul3A_23, %get3A_83, %dot_general3A_84 {dimension_numbers = #tpu.dot_dimension_numbers<[0], [0], [1], [1], [0, 1, 1, 1], [], []>, transpose_lhs_hint = false} : vector<16x512xf32>, vector<16x128xf32>, vector<512x128xf32> -> vector<512x128xf32>
    %add3A_86 = arith.addf %add3A_80, %dot_general3A_85 : vector<512x128xf32>
    %get3A_87 = arith.constant 0 : index
    %get3A_88 = arith.constant 0 : index
    %get3A_89 = vector.load %arg16[%get3A_87, %get3A_88] : memref<1x128xf32, #tpu.memory_space<vmem>>, vector<1x128xf32>
    %add3A_90 = vector.broadcast %get3A_89 : vector<1x128xf32> to vector<512x128xf32>
    %add3A_91 = arith.addf %add3A_86, %add3A_90 : vector<512x128xf32>
    %logistic3A_92 = arith.negf %add3A_91 : vector<512x128xf32>
    %logistic3A_93 = math.exp %logistic3A_92 : vector<512x128xf32>
    %logistic3A_94 = arith.constant 1.000000e+00 : f32
    %logistic3A_95 = vector.broadcast %logistic3A_94 : f32 to vector<512x128xf32>
    %logistic3A_96 = arith.addf %logistic3A_95, %logistic3A_93 : vector<512x128xf32>
    %logistic3A_97 = arith.divf %logistic3A_95, %logistic3A_96 : vector<512x128xf32>
    %mul3A_98 = arith.mulf %add3A_91, %logistic3A_97 : vector<512x128xf32>
    %get3A_99 = arith.constant 0 : index
    %get3A_100 = arith.constant 0 : index
    %get3A_101 = vector.load %arg17[%get3A_99, %get3A_100] : memref<1x128xf32, #tpu.memory_space<vmem>>, vector<1x128xf32>
    %mul3A_102 = vector.broadcast %get3A_101 : vector<1x128xf32> to vector<512x128xf32>
    %mul3A_103 = arith.mulf %mul3A_98, %mul3A_102 : vector<512x128xf32>
    %reduce_sum3A = arith.constant dense<0.000000e+00> : vector<512xf32>
    %reduce_sum3A_104 = vector.multi_reduction <add>, %mul3A_103, %reduce_sum3A [1] : vector<512x128xf32> to vector<512xf32>
    %broadcast_in_dim3A = vector.shape_cast %reduce_sum3A_104 : vector<512xf32> to vector<512x1xf32>
    %get3A_105 = arith.constant 0 : index
    %get3A_106 = arith.constant 0 : index
    %get3A_107 = vector.load %arg4[%get3A_105, %get3A_106] : memref<512x16xf32, #tpu.memory_space<vmem>>, vector<512x16xf32>
    %mul3A_108 = arith.mulf %get3A_107, %get3A_107 : vector<512x16xf32>
    %reduce_sum3A_109 = arith.constant dense<0.000000e+00> : vector<512xf32>
    %reduce_sum3A_110 = vector.multi_reduction <add>, %mul3A_108, %reduce_sum3A_109 [1] : vector<512x16xf32> to vector<512xf32>
    %broadcast_in_dim3A_111 = vector.shape_cast %reduce_sum3A_110 : vector<512xf32> to vector<512x1xf32>
    %max3A = arith.constant 1.000000e-16 : f32
    %max3A_112 = vector.broadcast %max3A : f32 to vector<512x1xf32>
    %max3A_113 = arith.maximumf %broadcast_in_dim3A_111, %max3A_112 : vector<512x1xf32>
    %rsqrt3A = math.rsqrt %max3A_113 : vector<512x1xf32>
    %mul3A_114 = arith.mulf %broadcast_in_dim3A, %rsqrt3A : vector<512x1xf32>
    %mul3A_115 = vector.broadcast %mul3A_114 : vector<512x1xf32> to vector<512x16xf32>
    %mul3A_116 = arith.mulf %mul3A_115, %get3A_107 : vector<512x16xf32>
    %swap3A_117 = arith.constant 0 : index
    %swap3A_118 = arith.constant 0 : index
    %swap3A_119 = vector.load %arg19[%swap3A_117, %swap3A_118] : memref<512x16xf32, #tpu.memory_space<vmem>>, vector<512x16xf32>
    tpu.vector_store %arg19[%swap3A_117, %swap3A_118], %mul3A_116 {strides = array<i32>} : memref<512x16xf32, #tpu.memory_space<vmem>>, vector<512x16xf32>,
    return
  }
  func.func @transform_0(%arg0: i32) -> (i32, i32) {
    %c0_i32 = arith.constant 0 : i32
    %c0_i32_0 = arith.constant 0 : i32
    return %arg0, %c0_i32 : i32, i32
  }
  func.func @transform_1(%arg0: i32) -> (i32, i32) {
    %c0_i32 = arith.constant 0 : i32
    %c0_i32_0 = arith.constant 0 : i32
    return %arg0, %c0_i32 : i32, i32
  }
  func.func @transform_2(%arg0: i32) -> (i32, i32) {
    %c0_i32 = arith.constant 0 : i32
    %c0_i32_0 = arith.constant 0 : i32
    return %c0_i32, %arg0 : i32, i32
  }
  func.func @transform_3(%arg0: i32) -> (i32, i32) {
    %c0_i32 = arith.constant 0 : i32
    %c0_i32_0 = arith.constant 0 : i32
    return %arg0, %c0_i32 : i32, i32
  }
  func.func @transform_4(%arg0: i32) -> (i32, i32) {
    %c0_i32 = arith.constant 0 : i32
    %c0_i32_0 = arith.constant 0 : i32
    %c0_i32_1 = arith.constant 0 : i32
    return %c0_i32, %c0_i32_0 : i32, i32
  }
  func.func @transform_5(%arg0: i32) -> (i32, i32) {
    %c0_i32 = arith.constant 0 : i32
    %c0_i32_0 = arith.constant 0 : i32
    %c0_i32_1 = arith.constant 0 : i32
    return %c0_i32, %c0_i32_0 : i32, i32
  }
  func.func @transform_6(%arg0: i32) -> (i32, i32) {
    %c0_i32 = arith.constant 0 : i32
    %c0_i32_0 = arith.constant 0 : i32
    %c0_i32_1 = arith.constant 0 : i32
    return %c0_i32, %c0_i32_0 : i32, i32
  }
  func.func @transform_7(%arg0: i32) -> (i32, i32) {
    %c0_i32 = arith.constant 0 : i32
    %c0_i32_0 = arith.constant 0 : i32
    %c0_i32_1 = arith.constant 0 : i32
    return %c0_i32, %c0_i32_0 : i32, i32
  }
  func.func @transform_8(%arg0: i32) -> (i32, i32) {
    %c0_i32 = arith.constant 0 : i32
    %c0_i32_0 = arith.constant 0 : i32
    %c0_i32_1 = arith.constant 0 : i32
    return %c0_i32, %c0_i32_0 : i32, i32
  }
  func.func @transform_9(%arg0: i32) -> (i32, i32) {
    %c0_i32 = arith.constant 0 : i32
    %c0_i32_0 = arith.constant 0 : i32
    %c0_i32_1 = arith.constant 0 : i32
    return %c0_i32, %c0_i32_0 : i32, i32
  }
  func.func @transform_10(%arg0: i32) -> (i32, i32) {
    %c0_i32 = arith.constant 0 : i32
    %c0_i32_0 = arith.constant 0 : i32
    %c0_i32_1 = arith.constant 0 : i32
    return %c0_i32, %c0_i32_0 : i32, i32
  }
  func.func @transform_11(%arg0: i32) -> (i32, i32) {
    %c0_i32 = arith.constant 0 : i32
    %c0_i32_0 = arith.constant 0 : i32
    %c0_i32_1 = arith.constant 0 : i32
    return %c0_i32, %c0_i32_0 : i32, i32
  }
  func.func @transform_12(%arg0: i32) -> (i32, i32) {
    %c0_i32 = arith.constant 0 : i32
    %c0_i32_0 = arith.constant 0 : i32
    %c0_i32_1 = arith.constant 0 : i32
    return %c0_i32, %c0_i32_0 : i32, i32
  }
  func.func @transform_13(%arg0: i32) -> (i32, i32) {
    %c0_i32 = arith.constant 0 : i32
    %c0_i32_0 = arith.constant 0 : i32
    %c0_i32_1 = arith.constant 0 : i32
    return %c0_i32, %c0_i32_0 : i32, i32
  }
  func.func @transform_14(%arg0: i32) -> (i32, i32) {
    %c0_i32 = arith.constant 0 : i32
    %c0_i32_0 = arith.constant 0 : i32
    %c0_i32_1 = arith.constant 0 : i32
    return %c0_i32, %c0_i32_0 : i32, i32
  }
  func.func @transform_15(%arg0: i32) -> (i32, i32) {
    %c0_i32 = arith.constant 0 : i32
    %c0_i32_0 = arith.constant 0 : i32
    %c0_i32_1 = arith.constant 0 : i32
    return %c0_i32, %c0_i32_0 : i32, i32
  }
  func.func @transform_16(%arg0: i32) -> (i32, i32) {
    %c0_i32 = arith.constant 0 : i32
    %c0_i32_0 = arith.constant 0 : i32
    %c0_i32_1 = arith.constant 0 : i32
    return %c0_i32, %c0_i32_0 : i32, i32
  }
  func.func @transform_17(%arg0: i32) -> (i32, i32) {
    %c0_i32 = arith.constant 0 : i32
    %c0_i32_0 = arith.constant 0 : i32
    return %arg0, %c0_i32 : i32, i32
  }
  func.func @transform_18(%arg0: i32) -> (i32, i32) {
    %c0_i32 = arith.constant 0 : i32
    %c0_i32_0 = arith.constant 0 : i32
    return %arg0, %c0_i32 : i32, i32
  }
}

</mosaic_0001>

<sc_bundles>
// kernel: kernel.12.cloned.1.call-start
scs
__scs_entry_jumppad:
0x0: {  	(pc) =	sbr.rel $0x88, $3  }
0x1: {  	(tag) =	ssettag $0x0;
	lr =	simm.s32 $0x1  }
0x2: {  	[smem:$0x3F92] =	sst lr;
	_ =	strace $0xD0000000  }
0x3: {  	_ = 	snop  }
0x4: {  	_ = 	snop  }
0x5: {  	_ = 	snop  }
0x6: {  	_ = 	snop  }
0x7: {  	_ = 	snop  }
__scs_overlays_trampoline_lowered:
0x8: {  	[smem:$0x3FA1] =	sst s0  }
0x9: {  	[smem:$0x3FA2] =	sst s1  }
0xa: {  	[smem:$0x3FA3] =	sst s2  }
0xb: {  	[smem:$0x3FA4] =	sst s3  }
0xc: {  	[smem:$0x3FA5] =	sst s4  }
0xd: {  	[smem:$0x3FA6] =	sst s5  }
0xe: {  	[smem:$0x3FA7] =	sst s6  }
0xf: {  	[smem:$0x3FA8] =	sst s7  }
0x10: {  	[smem:$0x3FA9] =	sst s8  }
0x11: {  	[smem:$0x3FAA] =	sst s9;
	s0 =	simm.s32 @!p0 $0x0  }
0x12: {  	s1 =	sld [smem:$0x3F90];
	s0 =	simm.s32 @p0 $0x1  }
0x13: {  	[smem:$0x3FAB] =	sst s0;
	s0 =	simm.s32 @!p1 $0x0  }
0x14: {  	s2 =	sld [smem:$0x3F8F];
	s0 =	simm.s32 @p1 $0x1  }
0x15: {  	[smem:$0x3FAC] =	sst s0;
	s0 =	simm.s32 @!p2 $0x0  }
0x16: {  	s3 =	sld [smem:$0x3FDB];
	s0 =	simm.s32 @p2 $0x1  }
0x17: {  	s4 =	simm.s32 $0x1BF5;
	[smem:$0x3FAE] =	sst s0  }
0x18: {  	s0 =	sld [smem:$0x3F91];
	_ =	swait.ge [sflag:s4], $0x0  }
0x19: {  	s7 =	sld [smem:$0x3F92]  }
0x1a: {  	s8 =	sadd.s32 $0xFFFFE003, lr  }
0x1b: {  	s9 =	sadd.s32 $0xFFFFFEF7, lr;
	s5 =	simm.s32 $0xFFFFFFFF;
	p2 =	slt.u32 s8, $0xFFFFF086  }
0x1c: {  	p1 =	slt.u32 s9, $0xF7A;
	s5 =	simm.s32 @!p2 $0x0  }
0x1d: {  	s5 =	simm.s32 @p1 $0x1;
	p0 =	seq.s32 s7, s2  }
0x1e: {  	s7 =	smul.u32 @!p0 $0xF7A, s2;
	p2 =	seq.s32 @!p0 s5, $0x0  }
0x1f: {  	s9 =	smul.u32 $0xF7A, s1;
	s8 =	simm.s32 @!p0 $0x1BF5;
	p2 =	por !p2, p0  }
0x20: {  	[sflag:s8] =	ssyncset.s32 @!p0 $0xFFFFF086;
	s6 =	sadd.s32 @!p0 s3, s7;
	s7 =	simm.s32 @!p0 $0x108  }
0x21: {  	s3 =	sadd.s32 s3, s9;
	s6 =	sadd.s32 @!p0 $0x88, s6;
	s7 =	simm.s32 @p2 $0x1082  }
0x22: {  	[simem:s7], [sflag:s8] =	dma.local @!p0 [hbm:s6], $0xF7A  }
0x23: {  	s9 =	sor.u32 $0xD0000000, s2;
	s6 =	simm.s32 $0x108;
	_ =	swait.ge @!p0 [sflag:s8], $0x0  }
0x24: {  	s3 =	sadd.s32 $0x88, s3;
	s6 =	simm.s32 @!p1 $0x1082;
	[sflag:s4] =	ssyncset.s32 $0xFFFFF086  }
0x25: {  	[simem:s6], [sflag:s4] =	dma.local [hbm:s3], $0xF7A  }
0x26: {  	[smem:$0x3F92] =	sst s1;
	(tag) =	ssettag s2;
	_ =	strace s9  }
0x27: {  	s1 =	sld [smem:$0x3FA2]  }
0x28: {  	s2 =	sld [smem:$0x3FA3]  }
0x29: {  	s4 =	sld [smem:$0x3FA5]  }
0x2a: {  	p0 =	seq.s32 s5, $0x0;
	s5 =	sld [smem:$0x3FA6]  }
0x2b: {  	s6 =	sld [smem:$0x3FA7]  }
0x2c: {  	s7 =	sld [smem:$0x3FA8]  }
0x2d: {  	s3 =	simm.s32 $0x108;
	s8 =	sld [smem:$0x3FA9]  }
0x2e: {  	s3 =	simm.s32 @!p0 $0x1082;
	s9 =	sld [smem:$0x3FAA]  }
0x2f: {  	lr =	sadd.s32 s0, s3;
	s0 =	sld [smem:$0x3FA1]  }
0x30: {  	s3 =	sld [smem:$0x3FA4]  }
0x31: {  	[smem:$0x3FAD] =	sst s10  }
0x32: {  	s10 =	sld [smem:$0x3FAB];
	_ =	sdelay $0x3  }
0x33: {  	p0 =	seq.s32 s10, $0x1;
	s10 =	sld [smem:$0x3FAD];
	_ =	sdelay $0x3  }
0x34: {  	[smem:$0x3FAD] =	sst s10  }
0x35: {  	s10 =	sld [smem:$0x3FAC];
	_ =	sdelay $0x3  }
0x36: {  	p1 =	seq.s32 s10, $0x1;
	s10 =	sld [smem:$0x3FAD];
	_ =	sdelay $0x3  }
0x37: {  	[smem:$0x3FAD] =	sst s10  }
0x38: {  	s10 =	sld [smem:$0x3FAE]  }
0x39: {  	_ = 	snop;
	(pc) =	sbr.ind lr, $3  }
0x3a: {  	_ = 	snop  }
0x3b: {  	_ = 	snop  }
0x3c: {  	p2 =	seq.s32 s10, $0x1;
	s10 =	sld [smem:$0x3FAD]  }
0x3d: {  	_ =	shalt  }
0x3e: {  	_ =	shalt  }
0x3f: {  	_ =	shalt  }
0x40: {  	_ =	shalt  }
0x41: {  	_ =	shalt  }
0x42: {  	_ =	shalt  }
0x43: {  	_ =	shalt  }
0x44: {  	_ =	shalt  }
0x45: {  	_ =	shalt  }
0x46: {  	_ =	shalt  }
0x47: {  	_ =	shalt  }
0x48: {  	_ =	shalt  }
0x49: {  	_ =	shalt  }
0x4a: {  	_ =	shalt  }
0x4b: {  	_ =	shalt  }
0x4c: {  	_ =	shalt  }
0x4d: {  	_ =	shalt  }
0x4e: {  	_ =	shalt  }
0x4f: {  	_ =	shalt  }
0x50: {  	_ =	shalt  }
0x51: {  	_ =	shalt  }
0x52: {  	_ =	shalt  }
0x53: {  	_ =	shalt  }
0x54: {  	_ =	shalt  }
0x55: {  	_ =	shalt  }
0x56: {  	_ =	shalt  }
0x57: {  	_ =	shalt  }
0x58: {  	_ =	shalt  }
0x59: {  	_ =	shalt  }
0x5a: {  	_ =	shalt  }
0x5b: {  	_ =	shalt  }
0x5c: {  	_ =	shalt  }
0x5d: {  	_ =	shalt  }
0x5e: {  	_ =	shalt  }
0x5f: {  	_ =	shalt  }
0x60: {  	_ =	shalt  }
0x61: {  	_ =	shalt  }
0x62: {  	_ =	shalt  }
0x63: {  	_ =	shalt  }
0x64: {  	_ =	shalt  }
0x65: {  	_ =	shalt  }
0x66: {  	_ =	shalt  }
0x67: {  	_ =	shalt  }
0x68: {  	_ =	shalt  }
0x69: {  	_ =	shalt  }
0x6a: {  	_ =	shalt  }
0x6b: {  	_ =	shalt  }
0x6c: {  	_ =	shalt  }
0x6d: {  	_ =	shalt  }
0x6e: {  	_ =	shalt  }
0x6f: {  	_ =	shalt  }
0x70: {  	_ =	shalt  }
0x71: {  	_ =	shalt  }
0x72: {  	_ =	shalt  }
0x73: {  	_ =	shalt  }
0x74: {  	_ =	shalt  }
0x75: {  	_ =	shalt  }
0x76: {  	_ =	shalt  }
0x77: {  	_ =	shalt  }
0x78: {  	_ =	shalt  }
0x79: {  	_ =	shalt  }
0x7a: {  	_ =	shalt  }
0x7b: {  	_ =	shalt  }
0x7c: {  	_ =	shalt  }
0x7d: {  	_ =	shalt  }
0x7e: {  	_ =	shalt  }
0x7f: {  	_ =	shalt  }
0x80: {  	_ =	shalt  }
0x81: {  	_ =	shalt  }
0x82: {  	_ =	shalt  }
0x83: {  	_ =	shalt  }
0x84: {  	_ =	shalt  }
0x85: {  	_ =	shalt  }
0x86: {  	_ =	shalt  }
0x87: {  	_ =	shalt  }
.Lfunc_end0:
.L_simem_size_0:
called_computation.2_lowered:
.L_overlay_start_0:
0x88: {  	s2 =	sld [smem:$0x3FD9]  }
0x89: {  	s3 =	sld [smem:$0x3FFE];
	_ =	sdelay $0x1  }
0x8a: {  	s1 =	srdreg.scid  }
0x8b: {  	s0 =	sand.u32 $0x1, s1  }
0x8c: {  	s14 =	sshll.u32 s0, $0xA;
	s2 =	sadd.s32 s3, s2  }
0x8d: {  	s2 =	sadd.s32 s2, s14  }
0x8e: {  	[smem:$0x3FB9] =	sst s2  }
0x8f: {  	_ = 	snop  }
0x90: {  	s2 =	sld [smem:$0x3FD0];
	_ =	sdelay $0x2  }
0x91: {  	s4 =	simm.s32 $0xB;
	s5 =	simm.s32 $0x10;
	s15 =	sld [smem:$0x3FC9]  }
0x92: {  	[smem:s5], [sflag:s4] =	dma.local [hbm:s2], $0x1  }
0x93: {  	_ =	swait.eq [sflag:s4], $0x1  }
0x94: {  	[sflag:s4] =	ssyncset.done $0x0  }
0x95: {  	[sflag:s4] =	ssyncadd.s32 $0xFFFFFFFF  }
0x96: {  	s16 =	sld [smem:$0x10];
	(tm) =	ssettm $0x1  }
0x97: {  	s17 =	sld [smem:$0x3FFB];
	_ =	sdelay $0x3  }
0x98: {  	_ =	strace s17  }
0x99: {  	s4 =	sld [smem:$0x3FFC];
	_ =	sdelay $0x3  }
0x9a: {  	_ =	strace s4  }
0x9b: {  	s4 =	sld [smem:$0x3FFD];
	_ =	sdelay $0x3  }
0x9c: {  	_ =	strace s4  }
0x9d: {  	_ =	strace $0x8FFFFFFF  }
0x9e: {  	s18 =	sld [smem:$0x3FDB];
	_ =	sdelay $0x1  }
0x9f: {  	s19 =	simm.s32 $_scs_section_size  }
0xa0: {  	s6 =	simm.s32 $_size__tile_overlayer_lowered;
	s7 =	simm.s32 $_tile_overlayer_lowered  }
0xa1: {  	s22 =	simm.s32 $0x1BFF;
	s21 =	sshll.u32 s7, $0x1;
	s4 =	sadd.s32 s19, s18  }
0xa2: {  	s8 =	simm.s32 $0x0;
	s20 =	sshll.u32 s6, $0x1;
	s6 =	sadd.s32 s21, s4  }
0xa3: {  	[timem:s8], [sflag:s22] =	dma.local [hbm:s6], s20  }
0xa4: {  	_ =	swait.ge [sflag:s22], s20  }
0xa5: {  	s5 =	ssub.s32 $0x0, s20;
	[sflag:s22] =	ssyncset.done $0x0  }
0xa6: {  	[sflag:s22] =	ssyncadd.s32 s5;
	_ =	sdelay $0x1  }
0xa7: {  	s23 =	simm.s32 $0x1B8B  }
0xa8: {  	_ =	swait.ge [sflag:s23], $0x1  }
0xa9: {  	[sflag:s23] =	ssyncset.done $0x0  }
0xaa: {  	s25 =	simm.s32 $0x1B8E;
	s24 =	sld [smem:$0x3FFE];
	[sflag:s23] =	ssyncadd.s32 $0xFFFFFFFF  }
0xab: {  	s26 =	simm.s32 $execute0_lowered;
	[smem:$0x3FD2] =	sst s25  }
0xac: {  	s6 =	sshll.u32 s26, $0x1;
	_ =	strace $0x8000004C;
	[dreg:$0x1] =	wrdreg $0xFFFFFFFF  }
0xad: {  	s28 =	simm.s32 $_size_execute0_lowered;
	s4 =	sadd.s32 s4, s6;
	[dreg:$0x0] =	wrdreg $0x0  }
0xae: {  	s6 =	sshll.u32 s28, $0x1;
	[dreg:$0x2] =	wrdreg s4  }
0xaf: {  	[dreg:$0x3] =	wrdreg s6  }
0xb0: {  	[dreg:$0x4] =	wrdreg $0xC0  }
0xb1: {  	_ =	task [dreg:s8], $0x5FFFF  }
0xb2: {  	[dreg:$0x1] =	wrdreg $0xFFFFFFFF  }
0xb3: {  	[dreg:$0x0] =	wrdreg $0x60  }
0xb4: {  	[dreg:$0x2] =	wrdreg s24  }
0xb5: {  	[dreg:$0x3] =	wrdreg s15  }
0xb6: {  	[dreg:$0x4] =	wrdreg s16  }
0xb7: {  	[dreg:$0x5] =	wrdreg $0x0  }
0xb8: {  	[dreg:$0x6] =	wrdreg $0x9  }
0xb9: {  	_ =	task.clear_ibuf [dreg:s8], $0x7FFFF;
	_ =	strace $0x9000004C  }
0xba: {  	s29 =	simm.s32 $0x9;
	_ =	strace $0x8000004E  }
0xbb: {  	_ =	swait.ge [sflag:s29], $0x1  }
0xbc: {  	[sflag:s29] =	ssyncadd.s32 $0xFFFFFFFF  }
0xbd: {  	_ =	strace $0x9000004E  }
0xbe: {  	_ =	sfence  }
0xbf: {  	s30 =	sld [smem:$0x0];
	_ =	sdelay $0x2  }
0xc0: {  	s31 =	sshll.u32 s1, $0xD;
	s1 =	sshrl.u32 s1, $0x2  }
0xc1: {  	s3 =	sand.u32 $0x4000, s31;
	s1 =	sadd.s32 s1, s30  }
0xc2: {  	s0 =	sor.u32 s3, s0;
	s1 =	sshll.u32 s1, $0x11  }
0xc3: {  	s0 =	sor.u32 s1, s0  }
0xc4: {  	s0 =	sadd.s32 $0x8F2B, s0  }
0xc5: {  	[sflag:s0] =	ssyncadd.remote.s32 $0x1  }
0xc6: {  	_ =	sfence.sel $0xFFFF  }
0xc7: {  	[dreg:$0x0] =	wrdreg $0xFFFFFFFF;
	(pc) =	sbr.abs _section_cstart, $3  }
0xc8: {  	[dreg:$0x1] =	wrdreg $0xFFFFFFFF  }
0xc9: {  	_ =	task.clear_ibuf [dreg:s8], $0x2FFFF;
	_ =	strace $0x9FFFFFFF  }
0xca: {  	(tm) =	ssettm $0x7FFFFFFF  }
0xcb: {  	_ =	shalt  }
tec
execute0_lowered:
.L_overlay_start_1:
0x0: {  	(tag) =	ssettag $0x1  }
0x1: {  	s0 =	rddreg [dreg:$0x0]  }
0x2: {  	s1 =	rddreg [dreg:$0x1]  }
0x3: {  	s14 =	rddreg [dreg:$0x2]  }
0x4: {  	s3 =	rddreg [dreg:$0x3];
	s4 =	simm.s32 $0x0;
	s16 =	stileid.u32  }
0x5: {  	s6 =	srdreg.scid;
	s28 =	simm.s32 $0x2;
	s29 =	simm.s32 $0x15100  }
0x6: {  	s30 =	simm.s32 $0x17C80;
	s31 =	simm.s32 $0x13880;
	s2 =	smul.u32 $0x2700, s16  }
0x7: {  	[smem:$0x7FF] =	sst s4;
	s5 =	sadd.s32 $0xEFF400, s0;
	s8 =	smul.u32 $0x4E000, s16  }
0x8: {  	s9 =	sand.u32 $0x1, s6;
	s6 =	sadd.s32 $0x13E1400, s0;
	s23 =	smul.u32 $0x4E200, s16  }
0x9: {  	s7 =	sadd.s32 $0xEC6A00, s0;
	s20 =	sadd.s32 $0x2000, s0;
	s15 =	smul.u32 $0x4E20, s16  }
0xa: {  	s26 =	sshll.u32 s16, $0x6;
	p1 =	sne.s32 s16, $0xF;
	p2 =	seq.s32 s16, $0xF  }
0xb: {  	_ =	strace $0x8000004D;
	s10 =	ssub.s32 $0x2, s9;
	[dreg:$0x5] =	wrdreg s20  }
0xc: {  	p0 =	sne.s32 s9, $0x0;
	[dreg:$0xe] =	wrdreg s26;
	s9 =	sor.u32 $0x1C01, s26  }
0xd: {  	s26 =	simm.s32 $0x50;
	s11 =	sadd.s32 s2, s0;
	s12 =	sshrl.u32 s10, $0x1  }
0xe: {  	s13 =	sshrl.u32 s8, $0x2;
	s0 =	sadd.s32 $0xEFF200, s0;
	s22 =	sadd.s32 s1, s2  }
0xf: {  	s1 =	sadd.s32 $0x27000, s1;
	s24 =	sadd.s32 s20, s2;
	[dreg:$0x8] =	wrdreg s0  }
0x10: {  	s25 =	sadd.s32 s14, s2;
	s2 =	simm.s32 $0x1CC80;
	[dreg:$0x9] =	wrdreg s22  }
0x11: {  	s12 =	ssub.s32 s10, s12;
	s13 =	sadd.s32 s13, s3;
	[dreg:$0xa] =	wrdreg s1  }
0x12: {  	s21 =	sadd.s32 $0xED8200, s11;
	s11 =	smul.u32 $0x8C00, s16;
	[dreg:$0xb] =	wrdreg s24  }
.Ltmp0:
0x13: {  	s10 =	sadd.s32 $0x138000, s3;
	[dreg:$0xc] =	wrdreg s25;
	(pc) =	sbr.rel .LBB2_1-.Ltmp0, $4  }
0x14: {  	s0 =	sadd.s32 s23, s5;
	s23 =	simm.s32 $0x1;
	s25 =	simm.s32 $0x15480  }
0x15: {  	s1 =	simm.s32 $0x0;
	[dreg:$0x6] =	wrdreg s21;
	s18 =	smax.u32 s12, $0x1  }
0x16: {  	s0 =	sadd.s32 $0x500, s0;
	s22 =	sshrl.u32 s13, $0x3;
	[dreg:$0x7] =	wrdreg s10  }
0x17: {  	v0 =	vimm.f32 $0.0e+00;
	s24 =	sshrl.u32 @!p1 s10, $0x3;
	[dreg:$0xd] =	wrdreg s0;
	s0 =	simm.s32 $0x1A480  }
.LBB2_16:
0x18: {  	s10 =	rddreg [dreg:$0x7]  }
0x19: {  	s8 =	sadd.s32 $0x27000, s12;
	s10 =	sshrl.u32 s10, $0x3  }
0x1a: {  	[hbm:s8], [sflag:s21] =	dma.local [spmem:s10], $0x100  }
0x1b: {  	_ =	swait.ge [sflag:s23], $0x100  }
0x1c: {  	[sflag:s23] =	ssyncset.done $0x0  }
0x1d: {  	[sflag:s23] =	ssyncadd.s32 $0xFFFFFF00  }
.LBB2_17:
0x1e: {  	s1 =	sadd.s32 $0x1, s1  }
0x1f: {  	p3 =	sne.s32 s1, s18  }
.Ltmp1:
0x20: {  	_ = 	snop;
	(pc) =	sbr.rel @!p3 .LBB2_18-.Ltmp1, $1  }
0x21: {  	_ =	sdelay $0x3  }
.LBB2_1:
.Ltmp2:
0x22: {  	(pc) =	sbr.rel @p0 .LBB2_7-.Ltmp2, $1  }
0x23: {  	_ =	sdelay $0x3  }
0x24: {  	s8 =	rddreg [dreg:$0x9]  }
0x25: {  	[spmem:s22], [sflag:s9] =	dma.local [hbm:s8], $0x2700  }
0x26: {  	_ =	swait.ge [sflag:s23], $0x2700  }
0x27: {  	[sflag:s23] =	ssyncset.done $0x0  }
0x28: {  	s12 =	simm.s32 @!p1 $0x1;
	s8 =	rddreg [dreg:$0xa];
	[sflag:s23] =	ssyncadd.s32 $0xFFFFD900  }
0x29: {  	[spmem:s24], [sflag:s9] =	dma.local @!p1 [hbm:s8], $0x100  }
0x2a: {  	_ =	swait.ge @!p1 [sflag:s12], $0x100  }
0x2b: {  	[sflag:s12] =	ssyncset.done @!p1 $0x0  }
0x2c: {  	[sflag:s12] =	ssyncadd.s32 @!p1 $0xFFFFFF00  }
0x2d: {  	[bflag:$0x0] =	sbarrier.arrive $0xFFFF  }
0x2e: {  	s21 =	simm.s32 $0x0;
	s13 =	simm.s32 $0x0;
	s19 =	rddreg [dreg:$0xd]  }
.LBB2_3:
0x2f: {  	s12 =	smul.u32 $0x1C00, s13;
	_ =	sdelay $0x1  }
0x30: {  	s12 =	sadd.s32 s11, s12  }
0x31: {  	s12 =	sshrl.u32 s12, $0x3  }
0x32: {  	s14 =	simm.s32 $0x13880;
	s16 =	smul.u32 $0xFA0, s13;
	s12 =	sadd.s32 s7, s12  }
0x33: {  	[tilespmem:s14], [sflag:$0x1] =	stream.linear.gather [hbm4b:s12+s21], $0x1900, $0x38;
	[tilespmem:$0x1F480] =	vst v63  }
0x34: {  	s10 =	sand.u32 $0x1, s21;
	s8 =	sadd.s32 s15, s16;
	_ =	swait.ge [sflag:s23], $0x1900  }
0x35: {  	s17 =	sxor.u32 $0x1, s10;
	s12 =	sshll.u32 s8, $0x4;
	[sflag:s23] =	ssyncset.done $0x0  }
0x36: {  	s16 =	smul.u32 $0xA000, s17;
	s12 =	sadd.s32 s5, s12;
	[sflag:s23] =	ssyncadd.s32 $0xFFFFE700  }
0x37: {  	[tilespmem:s25], [sflag:$0x1] =	stream.linear.gather [hbm4b:s12+s21], $0x2800, $0x38;
	[tilespmem:$0x1F480] =	vst v63  }
0x38: {  	s12 =	smul.u32 $0xA000, s10;
	_ =	swait.ge [sflag:s23], $0x2800  }
0x39: {  	s20 =	simm.s32 $0x1;
	s16 =	sshrl.u32 s16, $0x2;
	[sflag:s23] =	ssyncset.done $0x0  }
0x3a: {  	s16 =	sadd.s32 $0x15480, s16;
	s12 =	sshrl.u32 s12, $0x2;
	[sflag:s23] =	ssyncadd.s32 $0xFFFFD800  }
0x3b: {  	[tilespmem:s16], [sflag:$0x1] =	stream.linear.gather [hbm4b:s19+s4], $0x2800, $0x38;
	[tilespmem:$0x1F480] =	vst v63  }
0x3c: {  	s17 =	sand.u32 $0x1, s20;
	s12 =	sadd.s32 $0x15480, s12;
	s16 =	simm.s32 $0x13900  }
0x3d: {  	[spmem:s3] =	stream.indirect.scatter.add.f32 [tilespmem:s12], [sflag:$0x2], $0x80, s14, s26, $0xb8;
	[tilespmem:$0x1F480] =	vst v63  }
0x3e: {  	s12 =	simm.s32 $0x2;
	s14 =	sadd.s32 $0x500, s19;
	_ =	swait.ge [sflag:s28], $0x2800  }
.LBB2_4:
0x3f: {  	s8 =	sxor.u32 $0x1, s17  }
0x40: {  	[sflag:s28] =	ssyncset.done $0x0;
	s10 =	smov.u32 s12;
	s20 =	sadd.s32 $0x1, s12  }
0x41: {  	p3 =	sne.s32 s12, $0x30;
	s8 =	smul.u32 $0xA000, s8;
	[sflag:s28] =	ssyncadd.s32 $0xFFFFD800  }
0x42: {  	_ =	swait.ge [sflag:s23], $0x2800  }
0x43: {  	s12 =	smul.u32 $0xA000, s17;
	[sflag:s23] =	ssyncset.done $0x0;
	s8 =	sshrl.u32 s8, $0x2  }
0x44: {  	[sflag:s23] =	ssyncadd.s32 $0xFFFFD800;
	s8 =	sadd.s32 $0x15480, s8  }
0x45: {  	[tilespmem:s8], [sflag:$0x1] =	stream.linear.gather [hbm4b:s14+s4], $0x2800, $0x38;
	[tilespmem:$0x1F480] =	vst v63  }
.Ltmp3:
0x46: {  	_ = 	snop;
	(pc) =	sbr.rel @p3 .LBB2_4-.Ltmp3, $4  }
0x47: {  	s8 =	sshrl.u32 s12, $0x2  }
0x48: {  	s17 =	sand.u32 $0x1, s10;
	s14 =	sadd.s32 $0x500, s14;
	s8 =	sadd.s32 $0x15480, s8  }
0x49: {  	[spmem:s3] =	stream.indirect.scatter.add.f32 [tilespmem:s8], [sflag:$0x2], $0x80, s16, s26, $0xb8;
	[tilespmem:$0x1F480] =	vst v63  }
0x4a: {  	s12 =	smov.u32 s20;
	s16 =	sadd.s32 $0x80, s16;
	_ =	swait.ge [sflag:s28], $0x2800  }
0x4b: {  	s8 =	sxor.u32 $0x1, s17;
	[sflag:s28] =	ssyncset.done $0x0  }
0x4c: {  	s8 =	smul.u32 $0xA000, s8;
	[sflag:s28] =	ssyncadd.s32 $0xFFFFD800  }
0x4d: {  	s10 =	smul.u32 $0xA000, s17;
	_ =	swait.ge [sflag:s23], $0x2800  }
0x4e: {  	[sflag:s23] =	ssyncset.done $0x0;
	s8 =	sshrl.u32 s8, $0x2  }
0x4f: {  	s20 =	sshrl.u32 s10, $0x2;
	[sflag:s23] =	ssyncadd.s32 $0xFFFFD800;
	s8 =	sadd.s32 $0x15480, s8  }
0x50: {  	[tilespmem:s8], [sflag:$0x1] =	stream.linear.gather [hbm4b:s14+s4], $0x2800, $0x38;
	[tilespmem:$0x1F480] =	vst v63  }
0x51: {  	s8 =	sadd.s32 $0x15480, s20  }
0x52: {  	[spmem:s3] =	stream.indirect.scatter.add.f32 [tilespmem:s8], [sflag:$0x2], $0x80, s16, s26, $0xb8;
	[tilespmem:$0x1F480] =	vst v63  }
0x53: {  	_ =	swait.ge [sflag:s28], $0x2800  }
0x54: {  	[sflag:s28] =	ssyncset.done $0x0  }
0x55: {  	[sflag:s28] =	ssyncadd.s32 $0xFFFFD800  }
0x56: {  	s13 =	sadd.s32 $0x1, s13;
	_ =	swait.ge [sflag:s23], $0x2800  }
0x57: {  	p3 =	sne.s32 s13, $0x5;
	[sflag:s23] =	ssyncset.done $0x0  }
.Ltmp4:
0x58: {  	[sflag:s23] =	ssyncadd.s32 $0xFFFFD800;
	(pc) =	sbr.rel @p3 .LBB2_3-.Ltmp4, $4  }
0x59: {  	[spmem:s3] =	stream.indirect.scatter.add.f32 [tilespmem:s30], [sflag:$0x2], $0x80, s29, s26, $0xb8;
	[tilespmem:$0x1F480] =	vst v63  }
0x5a: {  	_ =	swait.ge [sflag:s28], $0x2800  }
0x5b: {  	[sflag:s28] =	ssyncset.done $0x0  }
0x5c: {  	s19 =	sadd.s32 $0xFA00, s19;
	[sflag:s28] =	ssyncadd.s32 $0xFFFFD800  }
0x5d: {  	[bflag:$0x0] =	sbarrier.arrive $0xFFFF  }
0x5e: {  	s8 =	rddreg [dreg:$0xc]  }
0x5f: {  	[hbm:s8], [sflag:s9] =	dma.local [spmem:s22], $0x2700  }
.Ltmp5:
0x60: {  	_ = 	snop;
	(pc) =	sbr.rel @p2 .LBB2_16-.Ltmp5, $4  }
.Ltmp6:
0x61: {  	_ =	swait.ge [sflag:s23], $0x2700;
	(pc) =	sbr.rel @!p2 .LBB2_17-.Ltmp6, $4  }
0x62: {  	[sflag:s23] =	ssyncset.done $0x0  }
0x63: {  	[sflag:s23] =	ssyncadd.s32 $0xFFFFD900  }
0x64: {  	s21 =	smov.u32 s9;
	s12 =	rddreg [dreg:$0x2]  }
0x65: {  	_ = 	snop  }
.LBB2_7:
0x66: {  	s8 =	rddreg [dreg:$0xe]  }
0x67: {  	s20 =	rddreg [dreg:$0x6];
	s21 =	sor.u32 $0x1C01, s8  }
0x68: {  	[spmem:s22], [sflag:s21] =	dma.local [hbm:s20], $0x2700  }
0x69: {  	_ =	swait.ge [sflag:s23], $0x2700  }
0x6a: {  	[sflag:s23] =	ssyncset.done $0x0  }
0x6b: {  	s12 =	simm.s32 @!p1 $0x1;
	s8 =	rddreg [dreg:$0x8];
	[sflag:s23] =	ssyncadd.s32 $0xFFFFD900  }
0x6c: {  	[spmem:s24], [sflag:s21] =	dma.local @!p1 [hbm:s8], $0x100  }
0x6d: {  	_ =	swait.ge @!p1 [sflag:s12], $0x100  }
0x6e: {  	[sflag:s12] =	ssyncset.done @!p1 $0x0  }
0x6f: {  	s13 =	simm.s32 $0x0;
	[sflag:s12] =	ssyncadd.s32 @!p1 $0xFFFFFF00  }
0x70: {  	s14 =	simm.s32 $0x0;
	s16 =	simm.s32 $0x200;
	[bflag:$0x0] =	sbarrier.arrive $0xFFFF  }
.LBB2_8:
0x71: {  	p3 =	sne.s32 s16, $0x9E00;
	[tilespmem:s14+$0x1CCF0] =	vst v0  }
0x72: {  	[tilespmem:s14+$0x1CC80] =	vst v0  }
0x73: {  	[tilespmem:s14+$0x1CC90] =	vst v0  }
.Ltmp7:
0x74: {  	[tilespmem:s14+$0x1CCA0] =	vst v0;
	(pc) =	sbr.rel @p3 .LBB2_8-.Ltmp7, $4  }
0x75: {  	[tilespmem:s14+$0x1CCB0] =	vst v0  }
0x76: {  	[tilespmem:s14+$0x1CCC0] =	vst v0  }
0x77: {  	[tilespmem:s14+$0x1CCD0] =	vst v0  }
0x78: {  	[tilespmem:s14+$0x1CCE0] =	vst v0;
	s14 =	sshra.s32 s16, $0x2;
	s16 =	sadd.s32 $0x200, s16  }
0x79: {  	[tilespmem:s14+$0x1CCF0] =	vst v0  }
0x7a: {  	[tilespmem:s14+$0x1CC80] =	vst v0  }
0x7b: {  	[tilespmem:s14+$0x1CC90] =	vst v0  }
0x7c: {  	[tilespmem:s14+$0x1CCA0] =	vst v0  }
0x7d: {  	[tilespmem:s14+$0x1CCB0] =	vst v0  }
0x7e: {  	[tilespmem:s14+$0x1CCC0] =	vst v0  }
0x7f: {  	[tilespmem:s14+$0x1CCD0] =	vst v0  }
0x80: {  	[tilespmem:s14+$0x1CCE0] =	vst v0  }
.LBB2_10:
0x81: {  	s8 =	smul.u32 $0x1C00, s13;
	_ =	sdelay $0x1  }
0x82: {  	s8 =	sadd.s32 s11, s8  }
0x83: {  	s8 =	sshrl.u32 s8, $0x3  }
0x84: {  	s14 =	simm.s32 $0x0;
	s8 =	sadd.s32 s7, s8  }
0x85: {  	[tilespmem:s31], [sflag:$0x1] =	stream.linear.gather [hbm4b:s8+s14], $0x1900, $0x38;
	[tilespmem:$0x1F480] =	vst v63  }
0x86: {  	_ =	swait.ge [sflag:s23], $0x1900  }
0x87: {  	[sflag:s23] =	ssyncset.done $0x0  }
0x88: {  	s16 =	smul.u32 $0x32, s13;
	s19 =	simm.s32 $0x0;
	[sflag:s23] =	ssyncadd.s32 $0xFFFFE700  }
.LBB2_11:
0x89: {  	_ = 	snop  }
0x8a: {  	s8 =	sadd.s32 s16, s19  }
0x8b: {  	s8 =	smul.u32 $0x50, s8;
	_ =	sdelay $0x1  }
0x8c: {  	s8 =	sadd.s32 s15, s8  }
0x8d: {  	s8 =	sshll.u32 s8, $0x4  }
0x8e: {  	s8 =	sadd.s32 s6, s8  }
0x8f: {  	[tilespmem:s0], [sflag:$0x1] =	stream.linear.gather [hbm4b:s8+s14], $0x2800, $0x38;
	[tilespmem:$0x1F480] =	vst v63  }
0x90: {  	_ =	swait.ge [sflag:s23], $0x2800  }
0x91: {  	[sflag:s23] =	ssyncset.done $0x0  }
0x92: {  	s17 =	simm.s32 $0x0;
	[sflag:s23] =	ssyncadd.s32 $0xFFFFD800  }
0x93: {  	s12 =	simm.s32 $0x200;
	v1 =	vld [tilespmem:s17+$0x1A480]  }
.LBB2_12:
0x94: {  	p3 =	sne.s32 s12, $0x9E00  }
.Ltmp8:
0x95: {  	_ = 	snop;
	(pc) =	sbr.rel @p3 .LBB2_12-.Ltmp8, $3  }
0x96: {  	_ =	sdelay $0x1  }
0x97: {  	[tilespmem:s17+$0x1CC80] =	vst v1;
	s17 =	sshra.s32 s12, $0x2;
	s12 =	sadd.s32 $0x200, s12  }
0x98: {  	v1 =	vld [tilespmem:s17+$0x1A480]  }
0x99: {  	_ =	sdelay $0x1  }
0x9a: {  	s8 =	sshll.u32 s19, $0x7;
	s19 =	sadd.s32 $0x1, s19  }
0x9b: {  	s8 =	sand.u32 $0x3FFFFF80, s8;
	p3 =	sne.s32 s19, $0x32  }
.Ltmp9:
0x9c: {  	s8 =	sadd.s32 $0x13880, s8;
	[tilespmem:s17+$0x1CC80] =	vst v1;
	(pc) =	sbr.rel @p3 .LBB2_11-.Ltmp9, $4  }
0x9d: {  	[spmem:s3] =	stream.indirect.scatter.add.f32 [tilespmem:s2], [sflag:$0x2], $0x80, s8, s26, $0xb8;
	[tilespmem:$0x1F480] =	vst v63  }
0x9e: {  	_ =	swait.ge [sflag:s28], $0x2800  }
0x9f: {  	[sflag:s28] =	ssyncset.done $0x0  }
0xa0: {  	[sflag:s28] =	ssyncadd.s32 $0xFFFFD800  }
0xa1: {  	s13 =	sadd.s32 $0x1, s13  }
0xa2: {  	p3 =	sne.s32 s13, $0x5  }
.Ltmp10:
0xa3: {  	_ = 	snop;
	(pc) =	sbr.rel @p3 .LBB2_10-.Ltmp10, $1  }
0xa4: {  	_ =	sdelay $0x3  }
0xa5: {  	[bflag:$0x0] =	sbarrier.arrive $0xFFFF  }
0xa6: {  	s8 =	rddreg [dreg:$0xb]  }
0xa7: {  	[hbm:s8], [sflag:s21] =	dma.local [spmem:s22], $0x2700  }
.Ltmp11:
0xa8: {  	_ = 	snop;
	(pc) =	sbr.rel @p1 .LBB2_17-.Ltmp11, $4  }
.Ltmp12:
0xa9: {  	_ = 	snop;
	(pc) =	sbr.rel @!p1 .LBB2_16-.Ltmp12, $4  }
0xaa: {  	_ =	swait.ge [sflag:s23], $0x2700  }
0xab: {  	[sflag:s23] =	ssyncset.done $0x0  }
0xac: {  	s12 =	rddreg [dreg:$0x5];
	[sflag:s23] =	ssyncadd.s32 $0xFFFFD900  }
0xad: {  	_ = 	snop  }
.LBB2_18:
0xae: {  	_ =	sfence.sel $0x180000  }
0xaf: {  	[bflag:$0x0] =	sbarrier.arrive $0xFFFF  }
0xb0: {  	_ =	strace $0x9000004D  }
0xb1: {  	s0 =	stileid.u32;
	[bflag:$0x2] =	sbarrier.arrive $0xFFFF  }
0xb2: {  	p0 =	sne.s32 s0, $0x0;
	s0 =	rddreg [dreg:$0x4]  }
0xb3: {  	s0 =	sadd.s32 @!p0 $0x100000, s0  }
0xb4: {  	[sflag:s0] =	ssyncadd.tile.s32 @!p0 $0x1;
	_ =	shalt  }
.Lfunc_end2:
_tile_overlayer_lowered:
.L_overlay_start_2:
0xb5: {  	(tag) =	ssettag $0x2  }
0xb6: {  	s0 =	rddreg [dreg:$0x0];
	s2 =	stileid.u32  }
0xb7: {  	s1 =	rddreg [dreg:$0x1];
	p0 =	sne.s32 s2, $0x0  }
0xb8: {  	s3 =	rddreg [dreg:$0x2];
	[bflag:$0x3] =	sbarrier.arrive $0xFFFF;
	s2 =	simm.s32 @!p0 $0x1C02  }
0xb9: {  	[timem:s3], [sflag:s2] =	dma.local @!p0 [hbm:s0], s1  }
0xba: {  	s0 =	simm.s32 @!p0 $0x2  }
0xbb: {  	_ =	swait.ge @!p0 [sflag:s0], s1  }
0xbc: {  	s1 =	ssub.s32 @!p0 $0x0, s1;
	[sflag:s0] =	ssyncset.done @!p0 $0x0  }
0xbd: {  	[sflag:s0] =	ssyncadd.s32 @!p0 s1  }
0xbe: {  	[bflag:$0x3] =	sbarrier.arrive $0xFFFF  }
0xbf: {  	_ =	shalt  }

// kernel: kernel.6.cloned.1.call-start
scs
__scs_entry_jumppad:
0x0: {  	(pc) =	sbr.rel $0x88, $3  }
0x1: {  	(tag) =	ssettag $0x0;
	lr =	simm.s32 $0x1  }
0x2: {  	[smem:$0x3F92] =	sst lr;
	_ =	strace $0xD0000000  }
0x3: {  	_ = 	snop  }
0x4: {  	_ = 	snop  }
0x5: {  	_ = 	snop  }
0x6: {  	_ = 	snop  }
0x7: {  	_ = 	snop  }
__scs_overlays_trampoline_lowered:
0x8: {  	[smem:$0x3FA1] =	sst s0  }
0x9: {  	[smem:$0x3FA2] =	sst s1  }
0xa: {  	[smem:$0x3FA3] =	sst s2  }
0xb: {  	[smem:$0x3FA4] =	sst s3  }
0xc: {  	[smem:$0x3FA5] =	sst s4  }
0xd: {  	[smem:$0x3FA6] =	sst s5  }
0xe: {  	[smem:$0x3FA7] =	sst s6  }
0xf: {  	[smem:$0x3FA8] =	sst s7  }
0x10: {  	[smem:$0x3FA9] =	sst s8  }
0x11: {  	[smem:$0x3FAA] =	sst s9;
	s0 =	simm.s32 @!p0 $0x0  }
0x12: {  	s1 =	sld [smem:$0x3F90];
	s0 =	simm.s32 @p0 $0x1  }
0x13: {  	[smem:$0x3FAB] =	sst s0;
	s0 =	simm.s32 @!p1 $0x0  }
0x14: {  	s2 =	sld [smem:$0x3F8F];
	s0 =	simm.s32 @p1 $0x1  }
0x15: {  	[smem:$0x3FAC] =	sst s0;
	s0 =	simm.s32 @!p2 $0x0  }
0x16: {  	s3 =	sld [smem:$0x3FDB];
	s0 =	simm.s32 @p2 $0x1  }
0x17: {  	s4 =	simm.s32 $0x1BF5;
	[smem:$0x3FAE] =	sst s0  }
0x18: {  	s0 =	sld [smem:$0x3F91];
	_ =	swait.ge [sflag:s4], $0x0  }
0x19: {  	s7 =	sld [smem:$0x3F92]  }
0x1a: {  	s8 =	sadd.s32 $0xFFFFE003, lr  }
0x1b: {  	s9 =	sadd.s32 $0xFFFFFEF7, lr;
	s5 =	simm.s32 $0xFFFFFFFF;
	p2 =	slt.u32 s8, $0xFFFFF086  }
0x1c: {  	p1 =	slt.u32 s9, $0xF7A;
	s5 =	simm.s32 @!p2 $0x0  }
0x1d: {  	s5 =	simm.s32 @p1 $0x1;
	p0 =	seq.s32 s7, s2  }
0x1e: {  	s7 =	smul.u32 @!p0 $0xF7A, s2;
	p2 =	seq.s32 @!p0 s5, $0x0  }
0x1f: {  	s9 =	smul.u32 $0xF7A, s1;
	s8 =	simm.s32 @!p0 $0x1BF5;
	p2 =	por !p2, p0  }
0x20: {  	[sflag:s8] =	ssyncset.s32 @!p0 $0xFFFFF086;
	s6 =	sadd.s32 @!p0 s3, s7;
	s7 =	simm.s32 @!p0 $0x108  }
0x21: {  	s3 =	sadd.s32 s3, s9;
	s6 =	sadd.s32 @!p0 $0x88, s6;
	s7 =	simm.s32 @p2 $0x1082  }
0x22: {  	[simem:s7], [sflag:s8] =	dma.local @!p0 [hbm:s6], $0xF7A  }
0x23: {  	s9 =	sor.u32 $0xD0000000, s2;
	s6 =	simm.s32 $0x108;
	_ =	swait.ge @!p0 [sflag:s8], $0x0  }
0x24: {  	s3 =	sadd.s32 $0x88, s3;
	s6 =	simm.s32 @!p1 $0x1082;
	[sflag:s4] =	ssyncset.s32 $0xFFFFF086  }
0x25: {  	[simem:s6], [sflag:s4] =	dma.local [hbm:s3], $0xF7A  }
0x26: {  	[smem:$0x3F92] =	sst s1;
	(tag) =	ssettag s2;
	_ =	strace s9  }
0x27: {  	s1 =	sld [smem:$0x3FA2]  }
0x28: {  	s2 =	sld [smem:$0x3FA3]  }
0x29: {  	s4 =	sld [smem:$0x3FA5]  }
0x2a: {  	p0 =	seq.s32 s5, $0x0;
	s5 =	sld [smem:$0x3FA6]  }
0x2b: {  	s6 =	sld [smem:$0x3FA7]  }
0x2c: {  	s7 =	sld [smem:$0x3FA8]  }
0x2d: {  	s3 =	simm.s32 $0x108;
	s8 =	sld [smem:$0x3FA9]  }
0x2e: {  	s3 =	simm.s32 @!p0 $0x1082;
	s9 =	sld [smem:$0x3FAA]  }
0x2f: {  	lr =	sadd.s32 s0, s3;
	s0 =	sld [smem:$0x3FA1]  }
0x30: {  	s3 =	sld [smem:$0x3FA4]  }
0x31: {  	[smem:$0x3FAD] =	sst s10  }
0x32: {  	s10 =	sld [smem:$0x3FAB];
	_ =	sdelay $0x3  }
0x33: {  	p0 =	seq.s32 s10, $0x1;
	s10 =	sld [smem:$0x3FAD];
	_ =	sdelay $0x3  }
0x34: {  	[smem:$0x3FAD] =	sst s10  }
0x35: {  	s10 =	sld [smem:$0x3FAC];
	_ =	sdelay $0x3  }
0x36: {  	p1 =	seq.s32 s10, $0x1;
	s10 =	sld [smem:$0x3FAD];
	_ =	sdelay $0x3  }
0x37: {  	[smem:$0x3FAD] =	sst s10  }
0x38: {  	s10 =	sld [smem:$0x3FAE]  }
0x39: {  	_ = 	snop;
	(pc) =	sbr.ind lr, $3  }
0x3a: {  	_ = 	snop  }
0x3b: {  	_ = 	snop  }
0x3c: {  	p2 =	seq.s32 s10, $0x1;
	s10 =	sld [smem:$0x3FAD]  }
0x3d: {  	_ =	shalt  }
0x3e: {  	_ =	shalt  }
0x3f: {  	_ =	shalt  }
0x40: {  	_ =	shalt  }
0x41: {  	_ =	shalt  }
0x42: {  	_ =	shalt  }
0x43: {  	_ =	shalt  }
0x44: {  	_ =	shalt  }
0x45: {  	_ =	shalt  }
0x46: {  	_ =	shalt  }
0x47: {  	_ =	shalt  }
0x48: {  	_ =	shalt  }
0x49: {  	_ =	shalt  }
0x4a: {  	_ =	shalt  }
0x4b: {  	_ =	shalt  }
0x4c: {  	_ =	shalt  }
0x4d: {  	_ =	shalt  }
0x4e: {  	_ =	shalt  }
0x4f: {  	_ =	shalt  }
0x50: {  	_ =	shalt  }
0x51: {  	_ =	shalt  }
0x52: {  	_ =	shalt  }
0x53: {  	_ =	shalt  }
0x54: {  	_ =	shalt  }
0x55: {  	_ =	shalt  }
0x56: {  	_ =	shalt  }
0x57: {  	_ =	shalt  }
0x58: {  	_ =	shalt  }
0x59: {  	_ =	shalt  }
0x5a: {  	_ =	shalt  }
0x5b: {  	_ =	shalt  }
0x5c: {  	_ =	shalt  }
0x5d: {  	_ =	shalt  }
0x5e: {  	_ =	shalt  }
0x5f: {  	_ =	shalt  }
0x60: {  	_ =	shalt  }
0x61: {  	_ =	shalt  }
0x62: {  	_ =	shalt  }
0x63: {  	_ =	shalt  }
0x64: {  	_ =	shalt  }
0x65: {  	_ =	shalt  }
0x66: {  	_ =	shalt  }
0x67: {  	_ =	shalt  }
0x68: {  	_ =	shalt  }
0x69: {  	_ =	shalt  }
0x6a: {  	_ =	shalt  }
0x6b: {  	_ =	shalt  }
0x6c: {  	_ =	shalt  }
0x6d: {  	_ =	shalt  }
0x6e: {  	_ =	shalt  }
0x6f: {  	_ =	shalt  }
0x70: {  	_ =	shalt  }
0x71: {  	_ =	shalt  }
0x72: {  	_ =	shalt  }
0x73: {  	_ =	shalt  }
0x74: {  	_ =	shalt  }
0x75: {  	_ =	shalt  }
0x76: {  	_ =	shalt  }
0x77: {  	_ =	shalt  }
0x78: {  	_ =	shalt  }
0x79: {  	_ =	shalt  }
0x7a: {  	_ =	shalt  }
0x7b: {  	_ =	shalt  }
0x7c: {  	_ =	shalt  }
0x7d: {  	_ =	shalt  }
0x7e: {  	_ =	shalt  }
0x7f: {  	_ =	shalt  }
0x80: {  	_ =	shalt  }
0x81: {  	_ =	shalt  }
0x82: {  	_ =	shalt  }
0x83: {  	_ =	shalt  }
0x84: {  	_ =	shalt  }
0x85: {  	_ =	shalt  }
0x86: {  	_ =	shalt  }
0x87: {  	_ =	shalt  }
.Lfunc_end0:
.L_simem_size_0:
called_computation_lowered:
.L_overlay_start_0:
0x88: {  	s2 =	sld [smem:$0x3FD9]  }
0x89: {  	s3 =	sld [smem:$0x3FFE];
	_ =	sdelay $0x1  }
0x8a: {  	s1 =	srdreg.scid  }
0x8b: {  	s0 =	sand.u32 $0x1, s1  }
0x8c: {  	s15 =	sshll.u32 s0, $0xA;
	s2 =	sadd.s32 s3, s2  }
0x8d: {  	s2 =	sadd.s32 s2, s15  }
0x8e: {  	[smem:$0x3FB9] =	sst s2  }
0x8f: {  	_ = 	snop  }
0x90: {  	s16 =	sld [smem:$0x3FD0];
	_ =	sdelay $0x2  }
0x91: {  	s4 =	simm.s32 $0xB;
	s5 =	simm.s32 $0x10;
	s2 =	sld [smem:$0x3FC9]  }
0x92: {  	[smem:s5], [sflag:s4] =	dma.local [hbm:s16], $0x1  }
0x93: {  	_ =	swait.eq [sflag:s4], $0x1  }
0x94: {  	[sflag:s4] =	ssyncset.done $0x0  }
0x95: {  	[sflag:s4] =	ssyncadd.s32 $0xFFFFFFFF  }
0x96: {  	s17 =	sld [smem:$0x10];
	(tm) =	ssettm $0x1  }
0x97: {  	s18 =	sld [smem:$0x3FFB];
	_ =	sdelay $0x3  }
0x98: {  	_ =	strace s18  }
0x99: {  	s3 =	sld [smem:$0x3FFC];
	_ =	sdelay $0x3  }
0x9a: {  	_ =	strace s3  }
0x9b: {  	s3 =	sld [smem:$0x3FFD];
	_ =	sdelay $0x3  }
0x9c: {  	_ =	strace s3  }
0x9d: {  	_ =	strace $0x8FFFFFFF  }
0x9e: {  	s19 =	sld [smem:$0x3FDB];
	_ =	sdelay $0x1  }
0x9f: {  	s20 =	simm.s32 $_scs_section_size  }
0xa0: {  	s6 =	simm.s32 $_size__tile_overlayer_lowered;
	s7 =	simm.s32 $_tile_overlayer_lowered  }
0xa1: {  	s8 =	simm.s32 $0x1BFF;
	s21 =	sshll.u32 s7, $0x1;
	s5 =	sadd.s32 s20, s19  }
0xa2: {  	s22 =	simm.s32 $0x0;
	s6 =	sshll.u32 s6, $0x1;
	s7 =	sadd.s32 s21, s5  }
0xa3: {  	[timem:s22], [sflag:s8] =	dma.local [hbm:s7], s6  }
0xa4: {  	_ =	swait.ge [sflag:s8], s6  }
0xa5: {  	s6 =	ssub.s32 $0x0, s6;
	[sflag:s8] =	ssyncset.done $0x0  }
0xa6: {  	[sflag:s8] =	ssyncadd.s32 s6;
	_ =	sdelay $0x1  }
0xa7: {  	s23 =	simm.s32 $0x1B8B  }
0xa8: {  	_ =	swait.ge [sflag:s23], $0x1  }
0xa9: {  	[sflag:s23] =	ssyncset.done $0x0  }
0xaa: {  	[sflag:s23] =	ssyncadd.s32 $0xFFFFFFFF  }
0xab: {  	s6 =	sld [smem:$0x0]  }
0xac: {  	s7 =	sand.u32 $0xFFFFFFFE, s1  }
0xad: {  	p0 =	sne.s32 s1, s7  }
0xae: {  	s7 =	sshll.u32 @p0 s7, $0xE  }
0xaf: {  	s7 =	sadd.s32 @p0 $0x11B8D, s7;
	s8 =	sshll.u32 @p0 s6, $0x11  }
0xb0: {  	s7 =	sor.u32 @p0 s8, s7  }
0xb1: {  	[sflag:s7] =	ssyncadd.remote.s32 @p0 $0x1;
	_ =	sdelay $0x1  }
0xb2: {  	s7 =	simm.s32 @p0 $0x1B8D  }
0xb3: {  	_ =	swait.eq @p0 [sflag:s7], $0x1  }
0xb4: {  	[sflag:s7] =	ssyncadd.s32 @p0 $0xFFFFFFFF  }
0xb5: {  	s8 =	sshll.u32 @!p0 s1, $0xE  }
0xb6: {  	s8 =	sor.u32 @!p0 $0x4000, s8;
	s7 =	simm.s32 @!p0 $0x1B8D  }
0xb7: {  	s6 =	sshll.u32 @!p0 s6, $0x11;
	s8 =	sadd.s32 @!p0 $0x11B8D, s8;
	_ =	swait.eq @!p0 [sflag:s7], $0x1  }
0xb8: {  	s6 =	sor.u32 @!p0 s6, s8;
	[sflag:s7] =	ssyncadd.s32 @!p0 $0xFFFFFFFF  }
0xb9: {  	s25 =	simm.s32 $0x1B8E;
	s24 =	sld [smem:$0x3FFE];
	[sflag:s6] =	ssyncadd.remote.s32 @!p0 $0x1  }
0xba: {  	s26 =	simm.s32 $execute0_lowered;
	[smem:$0x3FD2] =	sst s25  }
0xbb: {  	s7 =	sshll.u32 s26, $0x1;
	_ =	strace $0x80000049;
	[dreg:$0x1] =	wrdreg $0xFFFFFFFF  }
0xbc: {  	s28 =	simm.s32 $_size_execute0_lowered;
	s5 =	sadd.s32 s5, s7;
	[dreg:$0x0] =	wrdreg $0x0  }
0xbd: {  	s7 =	sshll.u32 s28, $0x1;
	[dreg:$0x2] =	wrdreg s5  }
0xbe: {  	[dreg:$0x3] =	wrdreg s7  }
0xbf: {  	[dreg:$0x4] =	wrdreg $0xC0  }
0xc0: {  	_ =	task [dreg:s22], $0x5FFFF  }
0xc1: {  	[dreg:$0x1] =	wrdreg $0xFFFFFFFF  }
0xc2: {  	[dreg:$0x0] =	wrdreg $0x60  }
0xc3: {  	[dreg:$0x2] =	wrdreg s2  }
0xc4: {  	[dreg:$0x3] =	wrdreg s17  }
0xc5: {  	[dreg:$0x4] =	wrdreg s24  }
0xc6: {  	[dreg:$0x5] =	wrdreg $0x9  }
0xc7: {  	_ =	task.clear_ibuf [dreg:s22], $0x6FFFF;
	_ =	strace $0x90000049  }
0xc8: {  	s29 =	simm.s32 $0x9;
	_ =	strace $0x8000004B  }
0xc9: {  	_ =	swait.ge [sflag:s29], $0x1  }
0xca: {  	[sflag:s29] =	ssyncadd.s32 $0xFFFFFFFF  }
0xcb: {  	_ =	strace $0x9000004B  }
0xcc: {  	_ =	sfence  }
0xcd: {  	s30 =	sld [smem:$0x0];
	_ =	sdelay $0x2  }
0xce: {  	s31 =	sshll.u32 s1, $0xD;
	s1 =	sshrl.u32 s1, $0x2  }
0xcf: {  	s4 =	sand.u32 $0x4000, s31;
	s1 =	sadd.s32 s1, s30  }
0xd0: {  	s0 =	sor.u32 s4, s0;
	s1 =	sshll.u32 s1, $0x11  }
0xd1: {  	s0 =	sor.u32 s1, s0  }
0xd2: {  	s0 =	sadd.s32 $0x8F2B, s0  }
0xd3: {  	[sflag:s0] =	ssyncadd.remote.s32 $0x1  }
0xd4: {  	_ =	sfence.sel $0xFFFF  }
0xd5: {  	[dreg:$0x0] =	wrdreg $0xFFFFFFFF;
	(pc) =	sbr.abs _section_cstart, $3  }
0xd6: {  	[dreg:$0x1] =	wrdreg $0xFFFFFFFF  }
0xd7: {  	_ =	task.clear_ibuf [dreg:s22], $0x2FFFF;
	_ =	strace $0x9FFFFFFF  }
0xd8: {  	(tm) =	ssettm $0x7FFFFFFF  }
0xd9: {  	_ =	shalt  }
tec
execute0_lowered:
.L_overlay_start_1:
0x0: {  	(tag) =	ssettag $0x1  }
0x1: {  	s1 =	rddreg [dreg:$0x0]  }
0x2: {  	s0 =	rddreg [dreg:$0x2]  }
0x3: {  	s2 =	srdreg.scid;
	s3 =	stileid.u32  }
0x4: {  	s4 =	simm.s32 $0x0;
	s14 =	simm.s32 $0x5;
	s15 =	simm.s32 $0x1000  }
0x5: {  	s16 =	simm.s32 $0x50;
	s17 =	simm.s32 $0x2000;
	s18 =	simm.s32 $0x7000  }
0x6: {  	s19 =	simm.s32 $0x1;
	s20 =	simm.s32 $0x2;
	s22 =	simm.s32 $0x4800  }
0x7: {  	s24 =	simm.s32 $0x9800;
	s25 =	simm.s32 $0x3;
	s2 =	sand.u32 $0x1, s2  }
0x8: {  	s5 =	sshll.u32 s3, $0x1;
	[smem:$0x7FF] =	sst s4;
	s7 =	sadd.s32 $0x502A00, s0  }
0x9: {  	s11 =	smul.u32 $0x4E200, s3;
	s8 =	sadd.s32 $0x9E4A00, s0;
	s9 =	sor.u32 s2, s5  }
0xa: {  	_ =	strace $0x8000004A;
	s10 =	ssub.s32 $0x2, s2;
	s2 =	smul.u32 $0x27100, s2  }
0xb: {  	s5 =	sadd.s32 $0xBE00, s0;
	s6 =	smul.u32 $0x2710, s9;
	s26 =	sshrl.u32 s10, $0x1  }
0xc: {  	s9 =	smul.u32 $0x5000, s9;
	s28 =	sadd.s32 s11, s7;
	s0 =	ssub.s32 s10, s26  }
0xd: {  	s30 =	sadd.s32 s11, s8;
	s29 =	sadd.s32 s2, s28;
	s0 =	smax.u32 s0, $0x1  }
0xe: {  	s31 =	sadd.s32 s2, s30;
	[dreg:$0x4] =	wrdreg s0;
	s0 =	sadd.s32 $0xA00, s29  }
0xf: {  	s26 =	simm.s32 $0x4;
	[dreg:$0x5] =	wrdreg s0;
	s0 =	sadd.s32 $0xA00, s31  }
0x10: {  	s2 =	simm.s32 $0x0;
	s11 =	sadd.s32 $0x50, s6;
	[dreg:$0x6] =	wrdreg s0  }
.LBB2_1:
0x11: {  	[dreg:$0x7] =	wrdreg s2  }
0x12: {  	s13 =	rddreg [dreg:$0x6]  }
0x13: {  	s30 =	rddreg [dreg:$0x5];
	s31 =	simm.s32 $0x0  }
.LBB2_2:
0x14: {  	s0 =	sshll.u32 s31, $0xC  }
0x15: {  	s0 =	sadd.s32 s9, s0  }
0x16: {  	s2 =	rddreg [dreg:$0x1];
	s0 =	sshrl.u32 s0, $0x3  }
0x17: {  	s2 =	sadd.s32 s2, s0  }
0x18: {  	[tilespmem:s4], [sflag:$0x5] =	stream.linear.gather [hbm4b:s2+s4], $0xC80, $0x38;
	[tilespmem:$0xC000] =	vst v63  }
0x19: {  	_ =	swait.ge [sflag:s14], $0xC80  }
0x1a: {  	[sflag:s14] =	ssyncset.done $0x0  }
0x1b: {  	s0 =	sadd.s32 s5, s0;
	[sflag:s14] =	ssyncadd.s32 $0xFFFFF380  }
0x1c: {  	[tilespmem:s15], [sflag:$0x5] =	stream.linear.gather [hbm4b:s0+s4], $0xC80, $0x38;
	[tilespmem:$0xC000] =	vst v63  }
0x1d: {  	_ =	swait.ge [sflag:s14], $0xC80  }
0x1e: {  	p0 =	seq.s32 s31, $0x0;
	[sflag:s14] =	ssyncset.done $0x0  }
0x1f: {  	s0 =	simm.s32 @!p0 $0x3;
	[sflag:s14] =	ssyncadd.s32 $0xFFFFF380  }
0x20: {  	_ =	swait.ge @!p0 [sflag:s0], $0x2800  }
0x21: {  	[sflag:s0] =	ssyncset.done @!p0 $0x0  }
0x22: {  	s2 =	simm.s32 @!p0 $0x4;
	[sflag:s0] =	ssyncadd.s32 @!p0 $0xFFFFD800  }
0x23: {  	_ =	swait.ge @!p0 [sflag:s2], $0x2800  }
0x24: {  	[sflag:s2] =	ssyncset.done @!p0 $0x0  }
0x25: {  	[sflag:s2] =	ssyncadd.s32 @!p0 $0xFFFFD800  }
0x26: {  	[tilespmem:s17], [sflag:$0x1] =	stream.indirect.gather [hbm4b:s1+s16], $0x80, s4, s16, $0xb8;
	[tilespmem:$0xC000] =	vst v63  }
0x27: {  	_ = 	snop  }
0x28: {  	[tilespmem:s18], [sflag:$0x2] =	stream.indirect.gather [hbm4b:s1+s16], $0x80, s15, s16, $0xb8;
	[tilespmem:$0xC000] =	vst v63  }
0x29: {  	_ =	swait.ge [sflag:s19], $0x2800  }
0x2a: {  	s10 =	smul.u32 $0x7D0, s31;
	[sflag:s19] =	ssyncset.done $0x0  }
0x2b: {  	[sflag:s19] =	ssyncadd.s32 $0xFFFFD800  }
0x2c: {  	s12 =	sadd.s32 s6, s10;
	_ =	swait.ge [sflag:s20], $0x2800  }
0x2d: {  	s12 =	sshll.u32 s12, $0x4;
	[sflag:s20] =	ssyncset.done $0x0  }
0x2e: {  	s28 =	sadd.s32 s7, s12;
	[sflag:s20] =	ssyncadd.s32 $0xFFFFD800  }
0x2f: {  	[hbm4b:s28+s4] =	stream.linear.scatter [tilespmem:s17], [sflag:$0x3], $0x2800, $0x38;
	[tilespmem:$0xC000] =	vst v63  }
0x30: {  	s12 =	sadd.s32 s8, s12  }
0x31: {  	[hbm4b:s12+s4] =	stream.linear.scatter [tilespmem:s18], [sflag:$0x4], $0x2800, $0x38;
	[tilespmem:$0xC000] =	vst v63  }
0x32: {  	_ =	swait.ge @!p0 [sflag:s0], $0x2800  }
0x33: {  	[sflag:s0] =	ssyncset.done @!p0 $0x0  }
0x34: {  	[sflag:s0] =	ssyncadd.s32 @!p0 $0xFFFFD800  }
0x35: {  	_ =	swait.ge @!p0 [sflag:s2], $0x2800  }
0x36: {  	[sflag:s2] =	ssyncset.done @!p0 $0x0  }
0x37: {  	s3 =	simm.s32 $0x80;
	[sflag:s2] =	ssyncadd.s32 @!p0 $0xFFFFD800  }
0x38: {  	[tilespmem:s22], [sflag:$0x1] =	stream.indirect.gather [hbm4b:s1+s16], $0x80, s3, s16, $0xb8;
	[tilespmem:$0xC000] =	vst v63  }
0x39: {  	s12 =	simm.s32 $0x1080  }
0x3a: {  	[tilespmem:s24], [sflag:$0x2] =	stream.indirect.gather [hbm4b:s1+s16], $0x80, s12, s16, $0xb8;
	[tilespmem:$0xC000] =	vst v63  }
0x3b: {  	_ =	swait.ge [sflag:s19], $0x2800  }
0x3c: {  	[sflag:s19] =	ssyncset.done $0x0  }
0x3d: {  	s0 =	simm.s32 $0x2;
	[sflag:s19] =	ssyncadd.s32 $0xFFFFD800  }
0x3e: {  	s21 =	sadd.s32 s11, s10;
	_ =	swait.ge [sflag:s0], $0x2800  }
0x3f: {  	s2 =	sshll.u32 s21, $0x4;
	[sflag:s0] =	ssyncset.done $0x0  }
0x40: {  	s23 =	sadd.s32 s7, s2;
	s3 =	simm.s32 $0x0;
	[sflag:s0] =	ssyncadd.s32 $0xFFFFD800  }
0x41: {  	[hbm4b:s23+s3] =	stream.linear.scatter [tilespmem:s22], [sflag:$0x3], $0x2800, $0x38;
	[tilespmem:$0xC000] =	vst v63  }
0x42: {  	s2 =	sadd.s32 s8, s2  }
0x43: {  	[hbm4b:s2+s3] =	stream.linear.scatter [tilespmem:s24], [sflag:$0x4], $0x2800, $0x38;
	[tilespmem:$0xC000] =	vst v63  }
0x44: {  	_ =	swait.ge [sflag:s25], $0x2800  }
0x45: {  	[sflag:s25] =	ssyncset.done $0x0  }
0x46: {  	s0 =	sand.u32 $0x1, s0;
	[sflag:s25] =	ssyncadd.s32 $0xFFFFD800  }
0x47: {  	p0 =	seq.s32 s0, $0x1;
	s0 =	simm.s32 $0x2800;
	_ =	swait.ge [sflag:s26], $0x2800  }
0x48: {  	s0 =	simm.s32 @!p0 $0x0;
	[sflag:s26] =	ssyncset.done $0x0  }
0x49: {  	s21 =	simm.s32 $0x100;
	s12 =	sadd.s32 $0x2000, s0;
	[sflag:s26] =	ssyncadd.s32 $0xFFFFD800  }
0x4a: {  	[tilespmem:s12], [sflag:$0x1] =	stream.indirect.gather [hbm4b:s1+s16], $0x80, s21, s16, $0xb8;
	[tilespmem:$0xC000] =	vst v63  }
0x4b: {  	s23 =	simm.s32 $0x1100;
	s28 =	sadd.s32 $0x7000, s0  }
0x4c: {  	[tilespmem:s28], [sflag:$0x2] =	stream.indirect.gather [hbm4b:s1+s16], $0x80, s23, s16, $0xb8;
	[tilespmem:$0xC000] =	vst v63  }
0x4d: {  	_ =	swait.ge [sflag:s19], $0x2800  }
0x4e: {  	[sflag:s19] =	ssyncset.done $0x0  }
0x4f: {  	[sflag:s19] =	ssyncadd.s32 $0xFFFFD800  }
0x50: {  	_ =	swait.ge [sflag:s20], $0x2800  }
0x51: {  	[sflag:s20] =	ssyncset.done $0x0  }
0x52: {  	s29 =	smov.u32 s13;
	s10 =	sadd.s32 $0x500, s30;
	[sflag:s20] =	ssyncadd.s32 $0xFFFFD800  }
0x53: {  	[hbm4b:s30+s4] =	stream.linear.scatter [tilespmem:s12], [sflag:$0x3], $0x2800, $0x38;
	[tilespmem:$0xC000] =	vst v63  }
0x54: {  	s0 =	simm.s32 $0x200;
	s2 =	simm.s32 $0x3;
	s12 =	sadd.s32 $0x500, s13  }
.LBB2_3:
0x55: {  	[hbm4b:s29+s4] =	stream.linear.scatter [tilespmem:s28], [sflag:$0x4], $0x2800, $0x38;
	[tilespmem:$0xC000] =	vst v63  }
0x56: {  	s28 =	smov.u32 s0;
	s29 =	smov.u32 s12  }
0x57: {  	p0 =	sne.s32 s0, $0x2C00;
	s0 =	sadd.s32 $0x200, s0;
	_ =	swait.ge [sflag:s25], $0x2800  }
0x58: {  	[sflag:s25] =	ssyncset.done $0x0  }
0x59: {  	s3 =	sand.u32 $0x1, s2;
	[sflag:s25] =	ssyncadd.s32 $0xFFFFD800  }
0x5a: {  	p1 =	seq.s32 s3, $0x1;
	s3 =	simm.s32 $0x2800;
	_ =	swait.ge [sflag:s26], $0x2800  }
0x5b: {  	s21 =	sshra.s32 s28, $0x2;
	s3 =	simm.s32 @!p1 $0x0;
	[sflag:s26] =	ssyncset.done $0x0  }
0x5c: {  	s28 =	sadd.s32 $0x100, s21;
	s23 =	sadd.s32 $0x2000, s3;
	[sflag:s26] =	ssyncadd.s32 $0xFFFFD800  }
0x5d: {  	[tilespmem:s23], [sflag:$0x1] =	stream.indirect.gather [hbm4b:s1+s16], $0x80, s28, s16, $0xb8;
	[tilespmem:$0xC000] =	vst v63  }
0x5e: {  	s28 =	sadd.s32 $0x7000, s3;
	s3 =	sadd.s32 $0x1100, s21  }
0x5f: {  	[tilespmem:s28], [sflag:$0x2] =	stream.indirect.gather [hbm4b:s1+s16], $0x80, s3, s16, $0xb8;
	[tilespmem:$0xC000] =	vst v63  }
0x60: {  	_ =	swait.ge [sflag:s19], $0x2800  }
0x61: {  	[sflag:s19] =	ssyncset.done $0x0  }
0x62: {  	[sflag:s19] =	ssyncadd.s32 $0xFFFFD800  }
.Ltmp0:
0x63: {  	_ =	swait.ge [sflag:s20], $0x2800;
	(pc) =	sbr.rel @p0 .LBB2_3-.Ltmp0, $4  }
0x64: {  	[sflag:s20] =	ssyncset.done $0x0  }
0x65: {  	[sflag:s20] =	ssyncadd.s32 $0xFFFFD800  }
0x66: {  	[hbm4b:s10+s4] =	stream.linear.scatter [tilespmem:s23], [sflag:$0x3], $0x2800, $0x38;
	[tilespmem:$0xC000] =	vst v63  }
0x67: {  	s2 =	sadd.s32 $0x1, s2;
	s12 =	sadd.s32 $0x500, s12;
	s10 =	sadd.s32 $0x500, s10  }
0x68: {  	s31 =	sadd.s32 $0x1, s31  }
0x69: {  	p0 =	sne.s32 s31, $0x5  }
.Ltmp1:
0x6a: {  	_ = 	snop;
	(pc) =	sbr.rel @p0 .LBB2_2-.Ltmp1, $3  }
0x6b: {  	_ =	sdelay $0x1  }
0x6c: {  	[hbm4b:s29+s4] =	stream.linear.scatter [tilespmem:s28], [sflag:$0x4], $0x2800, $0x38;
	[tilespmem:$0xC000] =	vst v63  }
0x6d: {  	s30 =	sadd.s32 $0x7D00, s30;
	s13 =	sadd.s32 $0x7D00, s13  }
0x6e: {  	_ =	swait.ge [sflag:s25], $0x2800  }
0x6f: {  	[sflag:s25] =	ssyncset.done $0x0  }
0x70: {  	[sflag:s25] =	ssyncadd.s32 $0xFFFFD800  }
0x71: {  	_ =	swait.ge [sflag:s26], $0x2800  }
0x72: {  	[sflag:s26] =	ssyncset.done $0x0  }
0x73: {  	[sflag:s26] =	ssyncadd.s32 $0xFFFFD800  }
0x74: {  	_ =	swait.ge [sflag:s25], $0x2800  }
0x75: {  	[sflag:s25] =	ssyncset.done $0x0  }
0x76: {  	[sflag:s25] =	ssyncadd.s32 $0xFFFFD800  }
0x77: {  	_ =	swait.ge [sflag:s26], $0x2800  }
0x78: {  	s2 =	rddreg [dreg:$0x7]  }
0x79: {  	s0 =	rddreg [dreg:$0x4];
	s2 =	sadd.s32 $0x1, s2  }
0x7a: {  	p0 =	sne.s32 s2, s0  }
.Ltmp2:
0x7b: {  	_ = 	snop;
	(pc) =	sbr.rel @p0 .LBB2_1-.Ltmp2, $3  }
0x7c: {  	_ =	sdelay $0x1  }
0x7d: {  	[sflag:s26] =	ssyncset.done $0x0  }
0x7e: {  	[sflag:s26] =	ssyncadd.s32 $0xFFFFD800  }
0x7f: {  	_ =	sfence.sel $0x180000  }
0x80: {  	[bflag:$0x0] =	sbarrier.arrive $0xFFFF  }
0x81: {  	_ =	strace $0x9000004A  }
0x82: {  	s0 =	stileid.u32;
	[bflag:$0x2] =	sbarrier.arrive $0xFFFF  }
0x83: {  	p0 =	sne.s32 s0, $0x0;
	s0 =	rddreg [dreg:$0x3]  }
0x84: {  	s0 =	sadd.s32 @!p0 $0x100000, s0  }
0x85: {  	[sflag:s0] =	ssyncadd.tile.s32 @!p0 $0x1;
	_ =	shalt  }
.Lfunc_end2:
_tile_overlayer_lowered:
.L_overlay_start_2:
0x86: {  	(tag) =	ssettag $0x2  }
0x87: {  	s0 =	rddreg [dreg:$0x0];
	s2 =	stileid.u32  }
0x88: {  	s1 =	rddreg [dreg:$0x1];
	p0 =	sne.s32 s2, $0x0  }
0x89: {  	s3 =	rddreg [dreg:$0x2];
	[bflag:$0x3] =	sbarrier.arrive $0xFFFF;
	s2 =	simm.s32 @!p0 $0x1C05  }
0x8a: {  	[timem:s3], [sflag:s2] =	dma.local @!p0 [hbm:s0], s1  }
0x8b: {  	s0 =	simm.s32 @!p0 $0x5  }
0x8c: {  	_ =	swait.ge @!p0 [sflag:s0], s1  }
0x8d: {  	s1 =	ssub.s32 @!p0 $0x0, s1;
	[sflag:s0] =	ssyncset.done @!p0 $0x0  }
0x8e: {  	[sflag:s0] =	ssyncadd.s32 @!p0 s1  }
0x8f: {  	[bflag:$0x3] =	sbarrier.arrive $0xFFFF  }
0x90: {  	_ =	shalt  }

// kernel: kernel.9.cloned.1.call-start
scs
__scs_entry_jumppad:
0x0: {  	(pc) =	sbr.rel $0x88, $3  }
0x1: {  	(tag) =	ssettag $0x0;
	lr =	simm.s32 $0x1  }
0x2: {  	[smem:$0x3F92] =	sst lr;
	_ =	strace $0xD0000000  }
0x3: {  	_ = 	snop  }
0x4: {  	_ = 	snop  }
0x5: {  	_ = 	snop  }
0x6: {  	_ = 	snop  }
0x7: {  	_ = 	snop  }
__scs_overlays_trampoline_lowered:
0x8: {  	[smem:$0x3FA1] =	sst s0  }
0x9: {  	[smem:$0x3FA2] =	sst s1  }
0xa: {  	[smem:$0x3FA3] =	sst s2  }
0xb: {  	[smem:$0x3FA4] =	sst s3  }
0xc: {  	[smem:$0x3FA5] =	sst s4  }
0xd: {  	[smem:$0x3FA6] =	sst s5  }
0xe: {  	[smem:$0x3FA7] =	sst s6  }
0xf: {  	[smem:$0x3FA8] =	sst s7  }
0x10: {  	[smem:$0x3FA9] =	sst s8  }
0x11: {  	[smem:$0x3FAA] =	sst s9;
	s0 =	simm.s32 @!p0 $0x0  }
0x12: {  	s1 =	sld [smem:$0x3F90];
	s0 =	simm.s32 @p0 $0x1  }
0x13: {  	[smem:$0x3FAB] =	sst s0;
	s0 =	simm.s32 @!p1 $0x0  }
0x14: {  	s2 =	sld [smem:$0x3F8F];
	s0 =	simm.s32 @p1 $0x1  }
0x15: {  	[smem:$0x3FAC] =	sst s0;
	s0 =	simm.s32 @!p2 $0x0  }
0x16: {  	s3 =	sld [smem:$0x3FDB];
	s0 =	simm.s32 @p2 $0x1  }
0x17: {  	s4 =	simm.s32 $0x1BF5;
	[smem:$0x3FAE] =	sst s0  }
0x18: {  	s0 =	sld [smem:$0x3F91];
	_ =	swait.ge [sflag:s4], $0x0  }
0x19: {  	s7 =	sld [smem:$0x3F92]  }
0x1a: {  	s8 =	sadd.s32 $0xFFFFE003, lr  }
0x1b: {  	s9 =	sadd.s32 $0xFFFFFEF7, lr;
	s5 =	simm.s32 $0xFFFFFFFF;
	p2 =	slt.u32 s8, $0xFFFFF086  }
0x1c: {  	p1 =	slt.u32 s9, $0xF7A;
	s5 =	simm.s32 @!p2 $0x0  }
0x1d: {  	s5 =	simm.s32 @p1 $0x1;
	p0 =	seq.s32 s7, s2  }
0x1e: {  	s7 =	smul.u32 @!p0 $0xF7A, s2;
	p2 =	seq.s32 @!p0 s5, $0x0  }
0x1f: {  	s9 =	smul.u32 $0xF7A, s1;
	s8 =	simm.s32 @!p0 $0x1BF5;
	p2 =	por !p2, p0  }
0x20: {  	[sflag:s8] =	ssyncset.s32 @!p0 $0xFFFFF086;
	s6 =	sadd.s32 @!p0 s3, s7;
	s7 =	simm.s32 @!p0 $0x108  }
0x21: {  	s3 =	sadd.s32 s3, s9;
	s6 =	sadd.s32 @!p0 $0x88, s6;
	s7 =	simm.s32 @p2 $0x1082  }
0x22: {  	[simem:s7], [sflag:s8] =	dma.local @!p0 [hbm:s6], $0xF7A  }
0x23: {  	s9 =	sor.u32 $0xD0000000, s2;
	s6 =	simm.s32 $0x108;
	_ =	swait.ge @!p0 [sflag:s8], $0x0  }
0x24: {  	s3 =	sadd.s32 $0x88, s3;
	s6 =	simm.s32 @!p1 $0x1082;
	[sflag:s4] =	ssyncset.s32 $0xFFFFF086  }
0x25: {  	[simem:s6], [sflag:s4] =	dma.local [hbm:s3], $0xF7A  }
0x26: {  	[smem:$0x3F92] =	sst s1;
	(tag) =	ssettag s2;
	_ =	strace s9  }
0x27: {  	s1 =	sld [smem:$0x3FA2]  }
0x28: {  	s2 =	sld [smem:$0x3FA3]  }
0x29: {  	s4 =	sld [smem:$0x3FA5]  }
0x2a: {  	p0 =	seq.s32 s5, $0x0;
	s5 =	sld [smem:$0x3FA6]  }
0x2b: {  	s6 =	sld [smem:$0x3FA7]  }
0x2c: {  	s7 =	sld [smem:$0x3FA8]  }
0x2d: {  	s3 =	simm.s32 $0x108;
	s8 =	sld [smem:$0x3FA9]  }
0x2e: {  	s3 =	simm.s32 @!p0 $0x1082;
	s9 =	sld [smem:$0x3FAA]  }
0x2f: {  	lr =	sadd.s32 s0, s3;
	s0 =	sld [smem:$0x3FA1]  }
0x30: {  	s3 =	sld [smem:$0x3FA4]  }
0x31: {  	[smem:$0x3FAD] =	sst s10  }
0x32: {  	s10 =	sld [smem:$0x3FAB];
	_ =	sdelay $0x3  }
0x33: {  	p0 =	seq.s32 s10, $0x1;
	s10 =	sld [smem:$0x3FAD];
	_ =	sdelay $0x3  }
0x34: {  	[smem:$0x3FAD] =	sst s10  }
0x35: {  	s10 =	sld [smem:$0x3FAC];
	_ =	sdelay $0x3  }
0x36: {  	p1 =	seq.s32 s10, $0x1;
	s10 =	sld [smem:$0x3FAD];
	_ =	sdelay $0x3  }
0x37: {  	[smem:$0x3FAD] =	sst s10  }
0x38: {  	s10 =	sld [smem:$0x3FAE]  }
0x39: {  	_ = 	snop;
	(pc) =	sbr.ind lr, $3  }
0x3a: {  	_ = 	snop  }
0x3b: {  	_ = 	snop  }
0x3c: {  	p2 =	seq.s32 s10, $0x1;
	s10 =	sld [smem:$0x3FAD]  }
0x3d: {  	_ =	shalt  }
0x3e: {  	_ =	shalt  }
0x3f: {  	_ =	shalt  }
0x40: {  	_ =	shalt  }
0x41: {  	_ =	shalt  }
0x42: {  	_ =	shalt  }
0x43: {  	_ =	shalt  }
0x44: {  	_ =	shalt  }
0x45: {  	_ =	shalt  }
0x46: {  	_ =	shalt  }
0x47: {  	_ =	shalt  }
0x48: {  	_ =	shalt  }
0x49: {  	_ =	shalt  }
0x4a: {  	_ =	shalt  }
0x4b: {  	_ =	shalt  }
0x4c: {  	_ =	shalt  }
0x4d: {  	_ =	shalt  }
0x4e: {  	_ =	shalt  }
0x4f: {  	_ =	shalt  }
0x50: {  	_ =	shalt  }
0x51: {  	_ =	shalt  }
0x52: {  	_ =	shalt  }
0x53: {  	_ =	shalt  }
0x54: {  	_ =	shalt  }
0x55: {  	_ =	shalt  }
0x56: {  	_ =	shalt  }
0x57: {  	_ =	shalt  }
0x58: {  	_ =	shalt  }
0x59: {  	_ =	shalt  }
0x5a: {  	_ =	shalt  }
0x5b: {  	_ =	shalt  }
0x5c: {  	_ =	shalt  }
0x5d: {  	_ =	shalt  }
0x5e: {  	_ =	shalt  }
0x5f: {  	_ =	shalt  }
0x60: {  	_ =	shalt  }
0x61: {  	_ =	shalt  }
0x62: {  	_ =	shalt  }
0x63: {  	_ =	shalt  }
0x64: {  	_ =	shalt  }
0x65: {  	_ =	shalt  }
0x66: {  	_ =	shalt  }
0x67: {  	_ =	shalt  }
0x68: {  	_ =	shalt  }
0x69: {  	_ =	shalt  }
0x6a: {  	_ =	shalt  }
0x6b: {  	_ =	shalt  }
0x6c: {  	_ =	shalt  }
0x6d: {  	_ =	shalt  }
0x6e: {  	_ =	shalt  }
0x6f: {  	_ =	shalt  }
0x70: {  	_ =	shalt  }
0x71: {  	_ =	shalt  }
0x72: {  	_ =	shalt  }
0x73: {  	_ =	shalt  }
0x74: {  	_ =	shalt  }
0x75: {  	_ =	shalt  }
0x76: {  	_ =	shalt  }
0x77: {  	_ =	shalt  }
0x78: {  	_ =	shalt  }
0x79: {  	_ =	shalt  }
0x7a: {  	_ =	shalt  }
0x7b: {  	_ =	shalt  }
0x7c: {  	_ =	shalt  }
0x7d: {  	_ =	shalt  }
0x7e: {  	_ =	shalt  }
0x7f: {  	_ =	shalt  }
0x80: {  	_ =	shalt  }
0x81: {  	_ =	shalt  }
0x82: {  	_ =	shalt  }
0x83: {  	_ =	shalt  }
0x84: {  	_ =	shalt  }
0x85: {  	_ =	shalt  }
0x86: {  	_ =	shalt  }
0x87: {  	_ =	shalt  }
.Lfunc_end0:
.L_simem_size_0:
called_computation.1_lowered:
.L_overlay_start_0:
0x88: {  	s2 =	sld [smem:$0x3FD9]  }
0x89: {  	s3 =	sld [smem:$0x3FFE];
	_ =	sdelay $0x1  }
0x8a: {  	s1 =	srdreg.scid  }
0x8b: {  	s0 =	sand.u32 $0x1, s1  }
0x8c: {  	s14 =	sshll.u32 s0, $0xA;
	s2 =	sadd.s32 s3, s2  }
0x8d: {  	s2 =	sadd.s32 s2, s14  }
0x8e: {  	[smem:$0x3FB9] =	sst s2  }
0x8f: {  	_ = 	snop  }
0x90: {  	s2 =	sld [smem:$0x3FD0];
	_ =	sdelay $0x2  }
0x91: {  	s15 =	simm.s32 $0xB;
	s4 =	simm.s32 $0x10  }
0x92: {  	[smem:s4], [sflag:s15] =	dma.local [hbm:s2], $0x1  }
0x93: {  	_ =	swait.eq [sflag:s15], $0x1  }
0x94: {  	[sflag:s15] =	ssyncset.done $0x0  }
0x95: {  	s16 =	sld [smem:$0x10];
	[sflag:s15] =	ssyncadd.s32 $0xFFFFFFFF  }
0x96: {  	s17 =	sld [smem:$0x11];
	(tm) =	ssettm $0x1  }
0x97: {  	s18 =	sld [smem:$0x3FFB];
	_ =	sdelay $0x3  }
0x98: {  	_ =	strace s18  }
0x99: {  	s4 =	sld [smem:$0x3FFC];
	_ =	sdelay $0x3  }
0x9a: {  	_ =	strace s4  }
0x9b: {  	s4 =	sld [smem:$0x3FFD];
	_ =	sdelay $0x3  }
0x9c: {  	_ =	strace s4  }
0x9d: {  	_ =	strace $0x8FFFFFFF  }
0x9e: {  	s19 =	sld [smem:$0x3FDB];
	_ =	sdelay $0x1  }
0x9f: {  	s5 =	simm.s32 $_scs_section_size  }
0xa0: {  	s6 =	simm.s32 $_size__tile_overlayer_lowered;
	s7 =	simm.s32 $_tile_overlayer_lowered  }
0xa1: {  	s22 =	simm.s32 $0x1BFF;
	s21 =	sshll.u32 s7, $0x1;
	s4 =	sadd.s32 s5, s19  }
0xa2: {  	s8 =	simm.s32 $0x0;
	s20 =	sshll.u32 s6, $0x1;
	s6 =	sadd.s32 s21, s4  }
0xa3: {  	[timem:s8], [sflag:s22] =	dma.local [hbm:s6], s20  }
0xa4: {  	_ =	swait.ge [sflag:s22], s20  }
0xa5: {  	s5 =	ssub.s32 $0x0, s20;
	[sflag:s22] =	ssyncset.done $0x0  }
0xa6: {  	[sflag:s22] =	ssyncadd.s32 s5;
	_ =	sdelay $0x1  }
0xa7: {  	s23 =	simm.s32 $0x1B8B  }
0xa8: {  	_ =	swait.ge [sflag:s23], $0x1  }
0xa9: {  	[sflag:s23] =	ssyncset.done $0x0  }
0xaa: {  	s25 =	simm.s32 $0x1B8E;
	s24 =	sld [smem:$0x3FFE];
	[sflag:s23] =	ssyncadd.s32 $0xFFFFFFFF  }
0xab: {  	s26 =	simm.s32 $execute0_lowered;
	[smem:$0x3FD2] =	sst s25  }
0xac: {  	s6 =	sshll.u32 s26, $0x1;
	_ =	strace $0x80000046;
	[dreg:$0x1] =	wrdreg $0xFFFFFFFF  }
0xad: {  	s28 =	simm.s32 $_size_execute0_lowered;
	s4 =	sadd.s32 s4, s6;
	[dreg:$0x0] =	wrdreg $0x0  }
0xae: {  	s6 =	sshll.u32 s28, $0x1;
	[dreg:$0x2] =	wrdreg s4  }
0xaf: {  	[dreg:$0x3] =	wrdreg s6  }
0xb0: {  	[dreg:$0x4] =	wrdreg $0xC0  }
0xb1: {  	_ =	task [dreg:s8], $0x5FFFF  }
0xb2: {  	[dreg:$0x1] =	wrdreg $0xFFFFFFFF  }
0xb3: {  	[dreg:$0x0] =	wrdreg $0x60  }
0xb4: {  	[dreg:$0x2] =	wrdreg s24  }
0xb5: {  	[dreg:$0x3] =	wrdreg s17  }
0xb6: {  	[dreg:$0x4] =	wrdreg s16  }
0xb7: {  	[dreg:$0x5] =	wrdreg $0xA  }
0xb8: {  	_ =	task.clear_ibuf [dreg:s8], $0x6FFFF;
	_ =	strace $0x90000046  }
0xb9: {  	s29 =	simm.s32 $0xA;
	_ =	strace $0x80000048  }
0xba: {  	_ =	swait.ge [sflag:s29], $0x1  }
0xbb: {  	[sflag:s29] =	ssyncadd.s32 $0xFFFFFFFF  }
0xbc: {  	_ =	strace $0x90000048  }
0xbd: {  	_ =	sfence  }
0xbe: {  	s30 =	sld [smem:$0x0];
	_ =	sdelay $0x2  }
0xbf: {  	s31 =	sshll.u32 s1, $0xD;
	s1 =	sshrl.u32 s1, $0x2  }
0xc0: {  	s3 =	sand.u32 $0x4000, s31;
	s1 =	sadd.s32 s1, s30  }
0xc1: {  	s0 =	sor.u32 s3, s0;
	s1 =	sshll.u32 s1, $0x11  }
0xc2: {  	s0 =	sor.u32 s1, s0  }
0xc3: {  	s0 =	sadd.s32 $0x8F2B, s0  }
0xc4: {  	[sflag:s0] =	ssyncadd.remote.s32 $0x1  }
0xc5: {  	_ =	sfence.sel $0xFFFF  }
0xc6: {  	[dreg:$0x0] =	wrdreg $0xFFFFFFFF;
	(pc) =	sbr.abs _section_cstart, $3  }
0xc7: {  	[dreg:$0x1] =	wrdreg $0xFFFFFFFF  }
0xc8: {  	_ =	task.clear_ibuf [dreg:s8], $0x2FFFF;
	_ =	strace $0x9FFFFFFF  }
0xc9: {  	(tm) =	ssettm $0x7FFFFFFF  }
tec
execute0_lowered:
.L_overlay_start_1:
0x0: {  	(tag) =	ssettag $0x1  }
0x1: {  	s8 =	rddreg [dreg:$0x0]  }
0x2: {  	s1 =	rddreg [dreg:$0x1]  }
0x3: {  	s3 =	rddreg [dreg:$0x2]  }
0x4: {  	s0 =	rddreg [dreg:$0x3];
	s4 =	simm.s32 $0x0;
	s5 =	srdreg.scid  }
0x5: {  	s2 =	stileid.u32;
	s13 =	simm.s32 $0x4F00;
	s14 =	simm.s32 $0x7680  }
0x6: {  	s15 =	simm.s32 $0x8680;
	s16 =	simm.s32 $0x9680;
	s17 =	simm.s32 $0x0  }
0x7: {  	[smem:$0x7FF] =	sst s4;
	s6 =	sand.u32 $0x1, s5;
	s31 =	sshll.u32 s2, $0x1  }
0x8: {  	s5 =	sadd.s32 $0x20400, s8;
	s9 =	sor.u32 s6, s31;
	s11 =	ssub.s32 $0x2, s6  }
0x9: {  	s7 =	sadd.s32 $0xBE00, s8;
	s10 =	smul.u32 $0x27100, s9;
	s12 =	sshrl.u32 s11, $0x1  }
0xa: {  	_ =	strace $0x80000047;
	s6 =	sadd.s32 $0x1FE00, s8;
	s11 =	ssub.s32 s11, s12  }
0xb: {  	v0 =	vlaneseq.u32;
	s12 =	simm.s32 $0x2780;
	s10 =	sadd.s32 s10, s8;
	s8 =	smul.u32 $0x5000, s9  }
0xc: {  	v1 =	vimm.f32 $0.0e+00;
	v2 =	vmul.u32 $0x80, v0;
	s9 =	sadd.s32 $0x20A00, s10;
	s10 =	smax.u32 s11, $0x1;
	s11 =	simm.s32 $0x1  }
.LBB2_1:
0xd: {  	[tilespmem:s4], [sflag:$0x1] =	stream.linear.gather [hbm4b:s5+s4], $0x2780, $0x38;
	[tilespmem:$0xBE80] =	vst v63  }
0xe: {  	_ =	swait.ge [sflag:s11], $0x2780  }
0xf: {  	[sflag:s11] =	ssyncset.done $0x0  }
0x10: {  	[sflag:s11] =	ssyncadd.s32 $0xFFFFD880  }
0x11: {  	[tilespmem:s12], [sflag:$0x1] =	stream.linear.gather [hbm4b:s6+s4], $0x2780, $0x38;
	[tilespmem:$0xBE80] =	vst v63  }
0x12: {  	_ =	swait.ge [sflag:s11], $0x2780  }
0x13: {  	[sflag:s11] =	ssyncset.done $0x0  }
0x14: {  	[sflag:s11] =	ssyncadd.s32 $0xFFFFD880  }
0x15: {  	[tilespmem:s13], [sflag:$0x1] =	stream.linear.gather [hbm4b:s1+s4], $0x2780, $0x38;
	[tilespmem:$0xBE80] =	vst v63  }
0x16: {  	_ =	swait.ge [sflag:s11], $0x2780  }
0x17: {  	[sflag:s11] =	ssyncset.done $0x0  }
0x18: {  	s18 =	simm.s32 $0x200;
	s19 =	simm.s32 $0x0;
	[sflag:s11] =	ssyncadd.s32 $0xFFFFD880  }
.LBB2_2:
0x19: {  	p0 =	sne.s32 s18, $0x9E00;
	[tilespmem:s19+$0x9680] =	vst v1;
	s19 =	smov.u32 s18;
	s18 =	sadd.s32 $0x200, s18  }
.Ltmp0:
0x1a: {  	(pc) =	sbr.rel @p0 .LBB2_2-.Ltmp0, $2  }
0x1b: {  	_ =	sdelay $0x2  }
0x1c: {  	s19 =	sshra.s32 s19, $0x2  }
0x1d: {  	[tilespmem:s19+$0x9680] =	vst v1;
	s18 =	simm.s32 $0x0;
	s19 =	simm.s32 $0x0  }
.LBB2_4:
0x1e: {  	s20 =	sshll.u32 s19, $0xC  }
0x1f: {  	s20 =	sadd.s32 s8, s20  }
0x20: {  	s20 =	sshrl.u32 s20, $0x3  }
0x21: {  	s21 =	sadd.s32 s3, s20  }
0x22: {  	[tilespmem:s14], [sflag:$0x1] =	stream.linear.gather [hbm4b:s21+s18], $0xC80, $0x38;
	[tilespmem:$0xBE80] =	vst v63  }
0x23: {  	_ =	swait.ge [sflag:s11], $0xC80  }
0x24: {  	[sflag:s11] =	ssyncset.done $0x0  }
0x25: {  	s20 =	sadd.s32 s7, s20;
	[sflag:s11] =	ssyncadd.s32 $0xFFFFF380  }
0x26: {  	[tilespmem:s15], [sflag:$0x1] =	stream.linear.gather [hbm4b:s20+s18], $0xC80, $0x38;
	[tilespmem:$0xBE80] =	vst v63  }
0x27: {  	_ =	swait.ge [sflag:s11], $0xC80  }
0x28: {  	[sflag:s11] =	ssyncset.done $0x0  }
0x29: {  	s21 =	simm.s32 $0x0;
	s20 =	smul.u32 $0x19, s19;
	[sflag:s11] =	ssyncadd.s32 $0xFFFFF380  }
.LBB2_5:
0x2a: {  	s22 =	sshll.u32 s21, $0x7  }
0x2b: {  	s31 =	simm.s32 $0x0;
	v3 =	vor.u32 s22, v0  }
0x2c: {  	v4 =	vor.u32 s31, v3;
	_ =	sdelay $0x4  }
0x2d: {  	v5 =	vld.idx.msk [tilespmem:v4+s14+$0x0], $0xffff  }
0x2e: {  	v7 =	vld.idx.msk [tilespmem:v4+s15+$0x0], $0xffff;
	_ =	sdelay $0x6  }
0x2f: {  	v12 =	vld.idx.msk [tilespmem:v5+s4+$0x0], $0xffff  }
0x30: {  	v13 =	vld.idx.msk [tilespmem:v7+s4+$0x0], $0xffff  }
0x31: {  	v4 =	vld.idx.msk [tilespmem:v5+s13+$0x0], $0xffff  }
0x32: {  	v6 =	vmov s31;
	v5 =	vld.idx.msk [tilespmem:v5+s12+$0x0], $0xffff  }
0x33: {  	v6 =	vshll.u32 v6, $0x7;
	v9 =	vld.idx.msk [tilespmem:v7+s12+$0x0], $0xffff  }
0x34: {  	v6 =	vor.u32 v2, v6;
	v11 =	vld.idx.msk [tilespmem:v7+s13+$0x0], $0xffff  }
0x35: {  	v8 =	vor.u32 $0x1, v6  }
0x36: {  	s22 =	simm.s32 $0x10;
	v10 =	vor.u32 $0x2, v6  }
0x37: {  	s23 =	simm.s32 $0x20;
	v7 =	vor.u32 s22, v3;
	v12 =	vsub.f32 v12, v13  }
.LBB2_6:
0x38: {  	p0 =	sne.s32 s23, $0x40;
	v5 =	vsub.f32 v5, v9;
	s24 =	smov.u32 s23;
	s23 =	sadd.s32 $0x10, s23  }
0x39: {  	v4 =	vsub.f32 v4, v11;
	[tilespmem:v6+s16+$0x0] =	vst.idx.msk $0xffff, v12  }
0x3a: {  	[tilespmem:v8+s16+$0x0] =	vst.idx.msk $0xffff, v5  }
0x3b: {  	[tilespmem:v10+s16+$0x0] =	vst.idx.msk $0xffff, v4  }
0x3c: {  	v5 =	vld.idx.msk [tilespmem:v7+s14+$0x0], $0xffff  }
0x3d: {  	v6 =	vld.idx.msk [tilespmem:v7+s15+$0x0], $0xffff;
	_ =	sdelay $0x6  }
0x3e: {  	v4 =	vld.idx.msk [tilespmem:v5+s13+$0x0], $0xffff  }
0x3f: {  	v12 =	vld.idx.msk [tilespmem:v5+s4+$0x0], $0xffff  }
0x40: {  	v5 =	vld.idx.msk [tilespmem:v5+s12+$0x0], $0xffff  }
0x41: {  	v13 =	vld.idx.msk [tilespmem:v6+s4+$0x0], $0xffff  }
0x42: {  	v7 =	vmov s22;
	s22 =	smov.u32 s24;
	v9 =	vld.idx.msk [tilespmem:v6+s12+$0x0], $0xffff  }
.Ltmp1:
0x43: {  	v7 =	vshll.u32 v7, $0x7;
	v11 =	vld.idx.msk [tilespmem:v6+s13+$0x0], $0xffff;
	(pc) =	sbr.rel @p0 .LBB2_6-.Ltmp1, $4  }
0x44: {  	v6 =	vor.u32 v2, v7  }
0x45: {  	v8 =	vor.u32 $0x1, v6  }
0x46: {  	v10 =	vor.u32 $0x2, v6  }
0x47: {  	v7 =	vor.u32 s22, v3;
	v12 =	vsub.f32 v12, v13  }
0x48: {  	_ =	sdelay $0x2  }
0x49: {  	v3 =	vsub.f32 v5, v9  }
0x4a: {  	v4 =	vsub.f32 v4, v11;
	[tilespmem:v6+s16+$0x0] =	vst.idx.msk $0xffff, v12  }
0x4b: {  	[tilespmem:v8+s16+$0x0] =	vst.idx.msk $0xffff, v3  }
0x4c: {  	[tilespmem:v10+s16+$0x0] =	vst.idx.msk $0xffff, v4  }
0x4d: {  	v3 =	vld.idx.msk [tilespmem:v7+s14+$0x0], $0xffff;
	_ =	sdelay $0x2  }
0x4e: {  	v4 =	vld.idx.msk [tilespmem:v7+s15+$0x0], $0xffff;
	_ =	sdelay $0x4  }
0x4f: {  	v59 =	vld.idx.msk [tilespmem:v3+s13+$0x0], $0xffff  }
0x50: {  	v6 =	vld.idx.msk [tilespmem:v3+s4+$0x0], $0xffff  }
0x51: {  	v3 =	vld.idx.msk [tilespmem:v3+s12+$0x0], $0xffff  }
0x52: {  	v60 =	vmov s22;
	v7 =	vld.idx.msk [tilespmem:v4+s4+$0x0], $0xffff  }
0x53: {  	v8 =	vshll.u32 v60, $0x7;
	v61 =	vld.idx.msk [tilespmem:v4+s12+$0x0], $0xffff  }
0x54: {  	v8 =	vor.u32 v2, v8;
	v4 =	vld.idx.msk [tilespmem:v4+s13+$0x0], $0xffff  }
0x55: {  	v62 =	vor.u32 $0x1, v8  }
0x56: {  	v63 =	vor.u32 $0x2, v8  }
0x57: {  	v6 =	vsub.f32 v6, v7  }
0x58: {  	s31 =	sadd.s32 s20, s21;
	v3 =	vsub.f32 v3, v61  }
0x59: {  	s21 =	sadd.s32 $0x1, s21;
	s22 =	smul.u32 $0x500, s31;
	v4 =	vsub.f32 v59, v4;
	[tilespmem:v8+s16+$0x0] =	vst.idx.msk $0xffff, v6  }
0x5a: {  	p0 =	sne.s32 s21, $0x19;
	[tilespmem:v62+s16+$0x0] =	vst.idx.msk $0xffff, v3  }
.Ltmp2:
0x5b: {  	s22 =	sadd.s32 s9, s22;
	[tilespmem:v63+s16+$0x0] =	vst.idx.msk $0xffff, v4;
	(pc) =	sbr.rel @p0 .LBB2_5-.Ltmp2, $4  }
0x5c: {  	[hbm4b:s22+s4] =	stream.linear.scatter [tilespmem:s16], [sflag:$0x1], $0x2800, $0x38;
	[tilespmem:$0xBE80] =	vst v63  }
0x5d: {  	_ =	swait.ge [sflag:s11], $0x2800  }
0x5e: {  	[sflag:s11] =	ssyncset.done $0x0  }
0x5f: {  	[sflag:s11] =	ssyncadd.s32 $0xFFFFD800  }
0x60: {  	s19 =	sadd.s32 $0x1, s19  }
0x61: {  	p0 =	sne.s32 s19, $0x5  }
.Ltmp3:
0x62: {  	_ = 	snop;
	(pc) =	sbr.rel @p0 .LBB2_4-.Ltmp3, $1  }
0x63: {  	_ =	sdelay $0x3  }
0x64: {  	s17 =	sadd.s32 $0x1, s17  }
0x65: {  	p0 =	sne.s32 s17, s10  }
.Ltmp4:
0x66: {  	_ = 	snop;
	(pc) =	sbr.rel @p0 .LBB2_1-.Ltmp4, $1  }
0x67: {  	_ =	sdelay $0x3  }
0x68: {  	_ =	sfence.sel $0x180000  }
0x69: {  	[bflag:$0x0] =	sbarrier.arrive $0xFFFF  }
0x6a: {  	p0 =	sne.s32 s2, $0x0;
	_ =	strace $0x90000047  }
0x6b: {  	s0 =	sadd.s32 @!p0 $0x100000, s0;
	[bflag:$0x2] =	sbarrier.arrive $0xFFFF  }
0x6c: {  	[sflag:s0] =	ssyncadd.tile.s32 @!p0 $0x1;
	_ =	shalt  }
.Lfunc_end2:
_tile_overlayer_lowered:
.L_overlay_start_2:
0x6d: {  	(tag) =	ssettag $0x2  }
0x6e: {  	s0 =	rddreg [dreg:$0x0];
	s2 =	stileid.u32  }
0x6f: {  	s1 =	rddreg [dreg:$0x1];
	p0 =	sne.s32 s2, $0x0  }
0x70: {  	s3 =	rddreg [dreg:$0x2];
	[bflag:$0x3] =	sbarrier.arrive $0xFFFF;
	s2 =	simm.s32 @!p0 $0x1C01  }
0x71: {  	[timem:s3], [sflag:s2] =	dma.local @!p0 [hbm:s0], s1  }
0x72: {  	s0 =	simm.s32 @!p0 $0x1  }
0x73: {  	_ =	swait.ge @!p0 [sflag:s0], s1  }
0x74: {  	s1 =	ssub.s32 @!p0 $0x0, s1;
	[sflag:s0] =	ssyncset.done @!p0 $0x0  }
0x75: {  	[sflag:s0] =	ssyncadd.s32 @!p0 s1  }
0x76: {  	[bflag:$0x3] =	sbarrier.arrive $0xFFFF  }
0x77: {  	_ =	shalt  }

</sc_bundles>
